<compile_context>
chip_gen: v7x
topology: tpu7x:2x2x1
jax: 0.10.2.dev20260603
libtpu: 0.0.44.dev20260713+nightly
codegen_flags: <defaults>
</compile_context>

<pallas_src>
import functools
import math

import jax
import jax.numpy as jnp
import numpy as np
from jax import lax
from jax.experimental import pallas as pl
from jax.experimental.pallas import tpu as pltpu
from jax.experimental.pallas import tpu_sc as plsc

_VOCAB = 1000000
_SIZE = 64
_BATCH = 4096
_SEQ = 200
_SCALE = float(math.sqrt(_SIZE))


def _make_pe(seq, d):
    pos = np.arange(seq, dtype=np.float32)[:, None]
    div = np.exp(np.arange(0, d, 2, dtype=np.float32) * (-math.log(10000.0) / d))
    pe = np.zeros((seq, d), dtype=np.float32)
    pe[:, 0::2] = np.sin(pos * div)
    pe[:, 1::2] = np.cos(pos * div)
    return pe


_PE = _make_pe(_SEQ, _SIZE)


@functools.lru_cache(maxsize=1)
def _build():
    info = plsc.get_sparse_core_info()
    nc, ns = info.num_cores, info.num_subcores
    nw = nc * ns
    rows_total = _BATCH * _SEQ
    per_w = rows_total // nw
    n_blk = per_w // _SEQ
    half_seq = _SEQ // 2
    split = 128
    rest = _SEQ - split

    mesh = plsc.VectorSubcoreMesh(core_axis_name="c", subcore_axis_name="s")

    @functools.partial(
        pl.kernel,
        mesh=mesh,
        compiler_params=pltpu.CompilerParams(use_tc_tiling_on_sc=False),
        out_type=jax.ShapeDtypeStruct((rows_total // 2, 2 * _SIZE), jnp.float32),
        scratch_types=[
            pltpu.VMEM((_SEQ,), jnp.int32),
            pltpu.VMEM((_SEQ,), jnp.int32),
            pltpu.VMEM((_SEQ, _SIZE), jnp.float32),
            pltpu.VMEM((_SEQ, _SIZE), jnp.float32),
            pltpu.VMEM((_SEQ // 2, 2 * _SIZE), jnp.float32),
            pltpu.VMEM((_SEQ // 2, 2 * _SIZE), jnp.float32),
            pltpu.VMEM((_SEQ // 2, 2 * _SIZE), jnp.float32),
            pltpu.SemaphoreType.DMA,
            pltpu.SemaphoreType.DMA,
        ],
    )
    def k(xf_hbm, table_hbm, pe_hbm, out_hbm,
          idx0, idx1, rows0, rows1, ob0, ob1, pe_v, sem_g, sem_w):
        wid = lax.axis_index("s") * nc + lax.axis_index("c")
        base = wid * per_w
        pltpu.sync_copy(pe_hbm, pe_v)

        idx_b = (idx0, idx1)
        rows_b = (rows0, rows1)
        out_b = (ob0, ob1)

        def fire(blk, par):
            ib, rb = idx_b[par], rows_b[par]
            off = base + blk * _SEQ
            pltpu.sync_copy(xf_hbm.at[pl.ds(off, _SEQ)], ib)
            pltpu.async_copy(
                table_hbm.at[ib.at[pl.ds(0, split)]],
                rb.at[pl.ds(0, split)], sem_g)
            pltpu.async_copy(
                table_hbm.at[ib.at[pl.ds(split, rest)]],
                rb.at[pl.ds(split, rest)], sem_g)

        def wait_gather(par):
            pltpu.make_async_copy(
                out_hbm.at[pl.ds(0, half_seq)], rows_b[par], sem_g).wait()

        def wait_write(par):
            pltpu.make_async_copy(
                out_b[par], out_hbm.at[pl.ds(0, half_seq)], sem_w).wait()

        fire(0, 0)

        def body(i, carry):
            for par in range(2):
                blk = 2 * i + par

                if par == 1:
                    wait_write(1 - par)
                else:
                    @pl.when(blk > 0)
                    def _():
                        wait_write(1 - par)

                wait_gather(par)

                @pl.when(blk + 1 < n_blk)
                def _():
                    fire(blk + 1, 1 - par)

                rb = rows_b[par]
                ob = out_b[par]

                @plsc.parallel_loop(0, half_seq, step=1, unroll=4)
                def _(rp):
                    for h in range(2):
                        for c in range(_SIZE // 16):
                            so = pl.ds(h * _SIZE + c * 16, 16)
                            ob[rp, so] = (
                                rb[2 * rp + h, pl.ds(c * 16, 16)] * _SCALE
                                + pe_v[rp, so])

                off2 = wid * (per_w // 2) + blk * half_seq
                pltpu.async_copy(ob, out_hbm.at[pl.ds(off2, half_seq)], sem_w)
            return carry

        lax.fori_loop(0, n_blk // 2, body, 0)
        wait_write(1)

    return k


def kernel(x, emb_table):
    xf = x.reshape(-1)
    pe2 = jnp.asarray(_PE).reshape(_SEQ // 2, 2 * _SIZE)
    out = _build()(xf, emb_table, pe2)
    return out.reshape(_BATCH, _SEQ, _SIZE)

# --- scband reference (transcript-rebuilt; emitter-appended) ---
"""Pipeline reference for scband-positional-embedding-43422119363261 (READ-ONLY COPY).

The authoritative reference and input builder live on the scoring server;
editing this copy changes nothing except your own understanding.
"""

import jax, jax.numpy as jnp
import numpy as np
import math

VOCAB = 1000000
SIZE = 64
MAX_SEQ_LEN = 2048
BATCH = 4096
SEQ = 200

def make_pe(max_len, d):
    pos = np.arange(max_len, dtype=np.float32)[:, None]
    div = np.exp(np.arange(0, d, 2, dtype=np.float32) * (-math.log(10000.0) / d))
    pe = np.zeros((max_len, d), dtype=np.float32)
    pe[:, 0::2] = np.sin(pos * div)
    pe[:, 1::2] = np.cos(pos * div)
    return jnp.asarray(pe)

def setup_inputs(seed: int = 0) -> dict:
    key = jax.random.key(seed)
    k1, k2 = jax.random.split(key)
    x = jax.random.randint(k1, (BATCH, SEQ), 0, VOCAB, dtype=jnp.int32)
    emb_table = jax.random.normal(k2, (VOCAB, SIZE), dtype=jnp.float32)
    return {"x": x, "emb_table": emb_table}

def reference(x, emb_table):
    # nn.Embedding lookup
    emb = jnp.take(emb_table, x, axis=0)  # [B, S, SIZE]
    # PositionalEncoding: scale by sqrt(size), add sinusoidal PE, dropout=0 (identity)
    emb = emb * math.sqrt(SIZE)
    pe = make_pe(MAX_SEQ_LEN, SIZE)
    out = emb + pe[None, :emb.shape[1], :]
    return out

if __name__ == "__main__":
    import jax
    _d = setup_inputs()
    print(jax.jit(kernel)(*tuple(_d.values())))

</pallas_src>

<mosaic_0001>
#map = affine_map<(d0, d1) -> (0)>
#map1 = affine_map<(d0, d1) -> (0, 0)>
module attributes {stable_mosaic.version = 14 : i64} {
  func.func @k(%arg0: i32, %arg1: i32, %arg2: memref<819200xi32, #tpu.memory_space<hbm>>, %arg3: memref<1000000x64xf32, #tpu.memory_space<hbm>>, %arg4: memref<100x128xf32, #tpu.memory_space<hbm>>, %arg5: memref<409600x128xf32, #tpu.memory_space<hbm>>, %arg6: memref<200xi32, #tpu.memory_space<vmem>>, %arg7: memref<200xi32, #tpu.memory_space<vmem>>, %arg8: memref<200x64xf32, #tpu.memory_space<vmem>>, %arg9: memref<200x64xf32, #tpu.memory_space<vmem>>, %arg10: memref<100x128xf32, #tpu.memory_space<vmem>>, %arg11: memref<100x128xf32, #tpu.memory_space<vmem>>, %arg12: memref<100x128xf32, #tpu.memory_space<vmem>>, %arg13: memref<!tpu.dma_semaphore, #tpu.memory_space<semaphore_mem>>, %arg14: memref<!tpu.dma_semaphore, #tpu.memory_space<semaphore_mem>>) attributes {dimension_semantics = [#tpu.dimension_semantics<core_parallel>, #tpu.dimension_semantics<subcore_parallel>], iteration_bounds = array<i64: 2, 16>, scalar_prefetch = 0 : i64, scratch_operands = 9 : i64, tpu.core_type = #tpu.core_type<sc_vector_subcore>, window_params = [{transform_indices = #map}, {transform_indices = #map1}, {transform_indices = #map1}, {transform_indices = #map1}]} {
    %mul3A = arith.constant 2 : i32
    %mul3A_0 = arith.muli %arg1, %mul3A : i32
    %add3A = arith.addi %mul3A_0, %arg0 : i32
    %mul3A_1 = arith.constant 25600 : i32
    %mul3A_2 = arith.muli %add3A, %mul3A_1 : i32
    "tpu.region"() ({
      %run_scoped3A = tpu.sem_alloc : memref<!tpu.dma_semaphore, #tpu.memory_space<semaphore_mem>>
      tpu.enqueue_dma source(%arg4 : memref<100x128xf32, #tpu.memory_space<hbm>>) target(%arg12 : memref<100x128xf32, #tpu.memory_space<vmem>>) target_semaphore(%run_scoped3A : memref<!tpu.dma_semaphore, #tpu.memory_space<semaphore_mem>>)
      tpu.wait_dma2 semaphore(%run_scoped3A : memref<!tpu.dma_semaphore, #tpu.memory_space<semaphore_mem>>) src(%arg4 : memref<100x128xf32, #tpu.memory_space<hbm>>) dst(%arg12 : memref<100x128xf32, #tpu.memory_space<vmem>>)
      tpu.yield
    }) : () -> ()
    %add3A_3 = arith.constant 0 : i32
    %add3A_4 = arith.addi %mul3A_2, %add3A_3 : i32
    "tpu.region"() ({
      %run_scoped3A = tpu.sem_alloc : memref<!tpu.dma_semaphore, #tpu.memory_space<semaphore_mem>>
      %dma_start3A_30 = tpu.memref_slice %arg2[%add3A_4] : memref<819200xi32, #tpu.memory_space<hbm>> -> memref<200xi32, #tpu.memory_space<hbm>>
      %dma_start3A_31 = tpu.memref_slice %arg2[%add3A_4] : memref<819200xi32, #tpu.memory_space<hbm>> -> memref<200xi32, #tpu.memory_space<hbm>>
      tpu.enqueue_dma source(%dma_start3A_31 : memref<200xi32, #tpu.memory_space<hbm>>) target(%arg6 : memref<200xi32, #tpu.memory_space<vmem>>) target_semaphore(%run_scoped3A : memref<!tpu.dma_semaphore, #tpu.memory_space<semaphore_mem>>)
      %dma_wait3A_32 = tpu.memref_slice %arg2[%add3A_4] : memref<819200xi32, #tpu.memory_space<hbm>> -> memref<200xi32, #tpu.memory_space<hbm>>
      %dma_wait3A_33 = tpu.memref_slice %arg2[%add3A_4] : memref<819200xi32, #tpu.memory_space<hbm>> -> memref<200xi32, #tpu.memory_space<hbm>>
      tpu.wait_dma2 semaphore(%run_scoped3A : memref<!tpu.dma_semaphore, #tpu.memory_space<semaphore_mem>>) src(%dma_wait3A_33 : memref<200xi32, #tpu.memory_space<hbm>>) dst(%arg6 : memref<200xi32, #tpu.memory_space<vmem>>)
      tpu.yield
    }) : () -> ()
    %dma_start3A = arith.constant 0 : i32
    %dma_start3A_5 = arith.constant 0 : i32
    %dma_start3A_6 = tpu.memref_slice %arg8[%dma_start3A, %dma_start3A_5] : memref<200x64xf32, #tpu.memory_space<vmem>> -> memref<128x64xf32, #tpu.memory_space<vmem>>
    %dma_start3A_7 = arith.constant 0 : i32
    %dma_start3A_8 = tpu.memref_slice %arg6[%dma_start3A_7] : memref<200xi32, #tpu.memory_space<vmem>> -> memref<128xi32, #tpu.memory_space<vmem>>
    %dma_start3A_9 = arith.constant 0 : i32
    %dma_start3A_10 = arith.constant 0 : i32
    %dma_start3A_11 = tpu.memref_slice %arg3[%dma_start3A_9, %dma_start3A_10] : memref<1000000x64xf32, #tpu.memory_space<hbm>> -> memref<1000000x64xf32, #tpu.memory_space<hbm>>
    tpu.enqueue_indirect_dma source(%dma_start3A_11 : memref<1000000x64xf32, #tpu.memory_space<hbm>>) target(%dma_start3A_6 : memref<128x64xf32, #tpu.memory_space<vmem>>) offsets(%dma_start3A_8 : memref<128xi32, #tpu.memory_space<vmem>>) semaphore(%arg13 : memref<!tpu.dma_semaphore, #tpu.memory_space<semaphore_mem>>)
    %dma_start3A_12 = arith.constant 128 : i32
    %dma_start3A_13 = arith.constant 0 : i32
    %dma_start3A_14 = tpu.memref_slice %arg8[%dma_start3A_12, %dma_start3A_13] : memref<200x64xf32, #tpu.memory_space<vmem>> -> memref<72x64xf32, #tpu.memory_space<vmem>>
    %dma_start3A_15 = arith.constant 128 : i32
    %dma_start3A_16 = tpu.memref_slice %arg6[%dma_start3A_15] : memref<200xi32, #tpu.memory_space<vmem>> -> memref<72xi32, #tpu.memory_space<vmem>>
    %dma_start3A_17 = arith.constant 0 : i32
    %dma_start3A_18 = arith.constant 0 : i32
    %dma_start3A_19 = tpu.memref_slice %arg3[%dma_start3A_17, %dma_start3A_18] : memref<1000000x64xf32, #tpu.memory_space<hbm>> -> memref<1000000x64xf32, #tpu.memory_space<hbm>>
    tpu.enqueue_indirect_dma source(%dma_start3A_19 : memref<1000000x64xf32, #tpu.memory_space<hbm>>) target(%dma_start3A_14 : memref<72x64xf32, #tpu.memory_space<vmem>>) offsets(%dma_start3A_16 : memref<72xi32, #tpu.memory_space<vmem>>) semaphore(%arg13 : memref<!tpu.dma_semaphore, #tpu.memory_space<semaphore_mem>>)
    %scan3A = arith.constant 0 : i32
    %scan3A_20 = arith.constant 0 : i32
    %scan3A_21 = arith.constant 64 : i32
    %scan3A_22 = arith.addi %scan3A_20, %scan3A_21 : i32
    %scan3A_23 = arith.constant 1 : i32
    scf.for %scan3A_30 = %scan3A_20 to %scan3A_22 step %scan3A_23  : i32 {
      %mul3A_31 = arith.constant 2 : i32
      %mul3A_32 = arith.muli %mul3A_31, %scan3A_30 : i32
      %add3A_33 = arith.constant 0 : i32
      %add3A_34 = arith.addi %mul3A_32, %add3A_33 : i32
      %gt3A = arith.constant 0 : i32
      %gt3A_35 = arith.cmpi sgt, %add3A_34, %gt3A : i32
      %convert_element_type3A = arith.extui %gt3A_35 : i1 to i32
      %cond3A = arith.constant 0 : i32
      %cond3A_36 = arith.cmpi ne, %convert_element_type3A, %cond3A : i32
      scf.if %cond3A_36 {
        %dma_wait3A_95 = arith.constant 0 : i32
        %dma_wait3A_96 = arith.constant 0 : i32
        %dma_wait3A_97 = tpu.memref_slice %arg5[%dma_wait3A_95, %dma_wait3A_96] : memref<409600x128xf32, #tpu.memory_space<hbm>> -> memref<100x128xf32, #tpu.memory_space<hbm>>
        %dma_wait3A_98 = arith.constant 0 : i32
        %dma_wait3A_99 = arith.constant 0 : i32
        %dma_wait3A_100 = tpu.memref_slice %arg5[%dma_wait3A_98, %dma_wait3A_99] : memref<409600x128xf32, #tpu.memory_space<hbm>> -> memref<100x128xf32, #tpu.memory_space<hbm>>
        tpu.wait_dma2 semaphore(%arg14 : memref<!tpu.dma_semaphore, #tpu.memory_space<semaphore_mem>>) src(%arg11 : memref<100x128xf32, #tpu.memory_space<vmem>>) dst(%dma_wait3A_100 : memref<100x128xf32, #tpu.memory_space<hbm>>)
      } else {
      }
      %dma_wait3A_37 = arith.constant 0 : i32
      %dma_wait3A_38 = arith.constant 0 : i32
      %dma_wait3A_39 = tpu.memref_slice %arg5[%dma_wait3A_37, %dma_wait3A_38] : memref<409600x128xf32, #tpu.memory_space<hbm>> -> memref<100x128xf32, #tpu.memory_space<hbm>>
      %dma_wait3A_40 = arith.constant 0 : i32
      %dma_wait3A_41 = arith.constant 0 : i32
      %dma_wait3A_42 = tpu.memref_slice %arg5[%dma_wait3A_40, %dma_wait3A_41] : memref<409600x128xf32, #tpu.memory_space<hbm>> -> memref<100x128xf32, #tpu.memory_space<hbm>>
      tpu.wait_dma2 semaphore(%arg13 : memref<!tpu.dma_semaphore, #tpu.memory_space<semaphore_mem>>) src(%dma_wait3A_42 : memref<100x128xf32, #tpu.memory_space<hbm>>) dst(%arg8 : memref<200x64xf32, #tpu.memory_space<vmem>>)
      %add3A_43 = arith.constant 1 : i32
      %add3A_44 = arith.addi %add3A_34, %add3A_43 : i32
      %lt3A = arith.constant 128 : i32
      %lt3A_45 = arith.cmpi slt, %add3A_44, %lt3A : i32
      %convert_element_type3A_46 = arith.extui %lt3A_45 : i1 to i32
      %cond3A_47 = arith.constant 0 : i32
      %cond3A_48 = arith.cmpi ne, %convert_element_type3A_46, %cond3A_47 : i32
      scf.if %cond3A_48 {
        %add3A_95 = arith.constant 1 : i32
        %add3A_96 = arith.addi %add3A_34, %add3A_95 : i32
        %mul3A_97 = arith.constant 200 : i32
        %mul3A_98 = arith.muli %add3A_96, %mul3A_97 : i32
        %add3A_99 = arith.addi %mul3A_2, %mul3A_98 : i32
        "tpu.region"() ({
          %run_scoped3A = tpu.sem_alloc : memref<!tpu.dma_semaphore, #tpu.memory_space<semaphore_mem>>
          %dma_start3A_116 = tpu.memref_slice %arg2[%add3A_99] : memref<819200xi32, #tpu.memory_space<hbm>> -> memref<200xi32, #tpu.memory_space<hbm>>
          %dma_start3A_117 = tpu.memref_slice %arg2[%add3A_99] : memref<819200xi32, #tpu.memory_space<hbm>> -> memref<200xi32, #tpu.memory_space<hbm>>
          tpu.enqueue_dma source(%dma_start3A_117 : memref<200xi32, #tpu.memory_space<hbm>>) target(%arg7 : memref<200xi32, #tpu.memory_space<vmem>>) target_semaphore(%run_scoped3A : memref<!tpu.dma_semaphore, #tpu.memory_space<semaphore_mem>>)
          %dma_wait3A_118 = tpu.memref_slice %arg2[%add3A_99] : memref<819200xi32, #tpu.memory_space<hbm>> -> memref<200xi32, #tpu.memory_space<hbm>>
          %dma_wait3A_119 = tpu.memref_slice %arg2[%add3A_99] : memref<819200xi32, #tpu.memory_space<hbm>> -> memref<200xi32, #tpu.memory_space<hbm>>
          tpu.wait_dma2 semaphore(%run_scoped3A : memref<!tpu.dma_semaphore, #tpu.memory_space<semaphore_mem>>) src(%dma_wait3A_119 : memref<200xi32, #tpu.memory_space<hbm>>) dst(%arg7 : memref<200xi32, #tpu.memory_space<vmem>>)
          tpu.yield
        }) : () -> ()
        %dma_start3A_100 = arith.constant 0 : i32
        %dma_start3A_101 = arith.constant 0 : i32
        %dma_start3A_102 = tpu.memref_slice %arg9[%dma_start3A_100, %dma_start3A_101] : memref<200x64xf32, #tpu.memory_space<vmem>> -> memref<128x64xf32, #tpu.memory_space<vmem>>
        %dma_start3A_103 = arith.constant 0 : i32
        %dma_start3A_104 = tpu.memref_slice %arg7[%dma_start3A_103] : memref<200xi32, #tpu.memory_space<vmem>> -> memref<128xi32, #tpu.memory_space<vmem>>
        %dma_start3A_105 = arith.constant 0 : i32
        %dma_start3A_106 = arith.constant 0 : i32
        %dma_start3A_107 = tpu.memref_slice %arg3[%dma_start3A_105, %dma_start3A_106] : memref<1000000x64xf32, #tpu.memory_space<hbm>> -> memref<1000000x64xf32, #tpu.memory_space<hbm>>
        tpu.enqueue_indirect_dma source(%dma_start3A_107 : memref<1000000x64xf32, #tpu.memory_space<hbm>>) target(%dma_start3A_102 : memref<128x64xf32, #tpu.memory_space<vmem>>) offsets(%dma_start3A_104 : memref<128xi32, #tpu.memory_space<vmem>>) semaphore(%arg13 : memref<!tpu.dma_semaphore, #tpu.memory_space<semaphore_mem>>)
        %dma_start3A_108 = arith.constant 128 : i32
        %dma_start3A_109 = arith.constant 0 : i32
        %dma_start3A_110 = tpu.memref_slice %arg9[%dma_start3A_108, %dma_start3A_109] : memref<200x64xf32, #tpu.memory_space<vmem>> -> memref<72x64xf32, #tpu.memory_space<vmem>>
        %dma_start3A_111 = arith.constant 128 : i32
        %dma_start3A_112 = tpu.memref_slice %arg7[%dma_start3A_111] : memref<200xi32, #tpu.memory_space<vmem>> -> memref<72xi32, #tpu.memory_space<vmem>>
        %dma_start3A_113 = arith.constant 0 : i32
        %dma_start3A_114 = arith.constant 0 : i32
        %dma_start3A_115 = tpu.memref_slice %arg3[%dma_start3A_113, %dma_start3A_114] : memref<1000000x64xf32, #tpu.memory_space<hbm>> -> memref<1000000x64xf32, #tpu.memory_space<hbm>>
        tpu.enqueue_indirect_dma source(%dma_start3A_115 : memref<1000000x64xf32, #tpu.memory_space<hbm>>) target(%dma_start3A_110 : memref<72x64xf32, #tpu.memory_space<vmem>>) offsets(%dma_start3A_112 : memref<72xi32, #tpu.memory_space<vmem>>) semaphore(%arg13 : memref<!tpu.dma_semaphore, #tpu.memory_space<semaphore_mem>>)
      } else {
      }
      %parallel_loop3A = arith.constant 0 : i32
      %parallel_loop3A_49 = arith.constant 100 : i32
      %parallel_loop3A_50 = arith.constant 1 : i32
      scf.for %parallel_loop3A_95 = %parallel_loop3A to %parallel_loop3A_49 step %parallel_loop3A_50  : i32 {
        %parallel_loop3A_96 = arith.constant 2 : i32
        %parallel_loop3A_97 = arith.muli %parallel_loop3A_96, %parallel_loop3A_95 : i32
        %parallel_loop3A_98 = arith.constant 0 : i32
        %parallel_loop3A_99 = arith.addi %parallel_loop3A_97, %parallel_loop3A_98 : i32
        %parallel_loop3A_100 = arith.index_cast %parallel_loop3A_99 : i32 to index
        %parallel_loop3A_101 = arith.constant 0 : index
        %parallel_loop3A_102 = tpu.vector_load %arg8[%parallel_loop3A_100, %parallel_loop3A_101] {strides = array<i32>} : memref<200x64xf32, #tpu.memory_space<vmem>>, vector<1x16xf32>,
        %parallel_loop3A_103 = vector.shape_cast %parallel_loop3A_102 : vector<1x16xf32> to vector<16xf32>
        %parallel_loop3A_104 = arith.constant 8.000000e+00 : f32
        %parallel_loop3A_105 = vector.broadcast %parallel_loop3A_104 : f32 to vector<16xf32>
        %parallel_loop3A_106 = arith.mulf %parallel_loop3A_103, %parallel_loop3A_105 : vector<16xf32>
        %parallel_loop3A_107 = arith.index_cast %parallel_loop3A_95 : i32 to index
        %parallel_loop3A_108 = arith.constant 0 : index
        %parallel_loop3A_109 = tpu.vector_load %arg12[%parallel_loop3A_107, %parallel_loop3A_108] {strides = array<i32>} : memref<100x128xf32, #tpu.memory_space<vmem>>, vector<1x16xf32>,
        %parallel_loop3A_110 = vector.shape_cast %parallel_loop3A_109 : vector<1x16xf32> to vector<16xf32>
        %parallel_loop3A_111 = arith.addf %parallel_loop3A_106, %parallel_loop3A_110 : vector<16xf32>
        %parallel_loop3A_112 = arith.index_cast %parallel_loop3A_95 : i32 to index
        %parallel_loop3A_113 = arith.constant 0 : index
        %parallel_loop3A_114 = tpu.vector_load %arg10[%parallel_loop3A_112, %parallel_loop3A_113] {strides = array<i32>} : memref<100x128xf32, #tpu.memory_space<vmem>>, vector<1x16xf32>,
        %parallel_loop3A_115 = vector.shape_cast %parallel_loop3A_114 : vector<1x16xf32> to vector<16xf32>
        %parallel_loop3A_116 = vector.shape_cast %parallel_loop3A_111 : vector<16xf32> to vector<1x16xf32>
        tpu.vector_store %arg10[%parallel_loop3A_112, %parallel_loop3A_113], %parallel_loop3A_116 {strides = array<i32>} : memref<100x128xf32, #tpu.memory_space<vmem>>, vector<1x16xf32>,
        %parallel_loop3A_117 = arith.constant 2 : i32
        %parallel_loop3A_118 = arith.muli %parallel_loop3A_117, %parallel_loop3A_95 : i32
        %parallel_loop3A_119 = arith.constant 0 : i32
        %parallel_loop3A_120 = arith.addi %parallel_loop3A_118, %parallel_loop3A_119 : i32
        %parallel_loop3A_121 = arith.index_cast %parallel_loop3A_120 : i32 to index
        %parallel_loop3A_122 = arith.constant 16 : index
        %parallel_loop3A_123 = tpu.vector_load %arg8[%parallel_loop3A_121, %parallel_loop3A_122] {strides = array<i32>} : memref<200x64xf32, #tpu.memory_space<vmem>>, vector<1x16xf32>,
        %parallel_loop3A_124 = vector.shape_cast %parallel_loop3A_123 : vector<1x16xf32> to vector<16xf32>
        %parallel_loop3A_125 = arith.constant 8.000000e+00 : f32
        %parallel_loop3A_126 = vector.broadcast %parallel_loop3A_125 : f32 to vector<16xf32>
        %parallel_loop3A_127 = arith.mulf %parallel_loop3A_124, %parallel_loop3A_126 : vector<16xf32>
        %parallel_loop3A_128 = arith.index_cast %parallel_loop3A_95 : i32 to index
        %parallel_loop3A_129 = arith.constant 16 : index
        %parallel_loop3A_130 = tpu.vector_load %arg12[%parallel_loop3A_128, %parallel_loop3A_129] {strides = array<i32>} : memref<100x128xf32, #tpu.memory_space<vmem>>, vector<1x16xf32>,
        %parallel_loop3A_131 = vector.shape_cast %parallel_loop3A_130 : vector<1x16xf32> to vector<16xf32>
        %parallel_loop3A_132 = arith.addf %parallel_loop3A_127, %parallel_loop3A_131 : vector<16xf32>
        %parallel_loop3A_133 = arith.index_cast %parallel_loop3A_95 : i32 to index
        %parallel_loop3A_134 = arith.constant 16 : index
        %parallel_loop3A_135 = tpu.vector_load %arg10[%parallel_loop3A_133, %parallel_loop3A_134] {strides = array<i32>} : memref<100x128xf32, #tpu.memory_space<vmem>>, vector<1x16xf32>,
        %parallel_loop3A_136 = vector.shape_cast %parallel_loop3A_135 : vector<1x16xf32> to vector<16xf32>
        %parallel_loop3A_137 = vector.shape_cast %parallel_loop3A_132 : vector<16xf32> to vector<1x16xf32>
        tpu.vector_store %arg10[%parallel_loop3A_133, %parallel_loop3A_134], %parallel_loop3A_137 {strides = array<i32>} : memref<100x128xf32, #tpu.memory_space<vmem>>, vector<1x16xf32>,
        %parallel_loop3A_138 = arith.constant 2 : i32
        %parallel_loop3A_139 = arith.muli %parallel_loop3A_138, %parallel_loop3A_95 : i32
        %parallel_loop3A_140 = arith.constant 0 : i32
        %parallel_loop3A_141 = arith.addi %parallel_loop3A_139, %parallel_loop3A_140 : i32
        %parallel_loop3A_142 = arith.index_cast %parallel_loop3A_141 : i32 to index
        %parallel_loop3A_143 = arith.constant 32 : index
        %parallel_loop3A_144 = tpu.vector_load %arg8[%parallel_loop3A_142, %parallel_loop3A_143] {strides = array<i32>} : memref<200x64xf32, #tpu.memory_space<vmem>>, vector<1x16xf32>,
        %parallel_loop3A_145 = vector.shape_cast %parallel_loop3A_144 : vector<1x16xf32> to vector<16xf32>
        %parallel_loop3A_146 = arith.constant 8.000000e+00 : f32
        %parallel_loop3A_147 = vector.broadcast %parallel_loop3A_146 : f32 to vector<16xf32>
        %parallel_loop3A_148 = arith.mulf %parallel_loop3A_145, %parallel_loop3A_147 : vector<16xf32>
        %parallel_loop3A_149 = arith.index_cast %parallel_loop3A_95 : i32 to index
        %parallel_loop3A_150 = arith.constant 32 : index
        %parallel_loop3A_151 = tpu.vector_load %arg12[%parallel_loop3A_149, %parallel_loop3A_150] {strides = array<i32>} : memref<100x128xf32, #tpu.memory_space<vmem>>, vector<1x16xf32>,
        %parallel_loop3A_152 = vector.shape_cast %parallel_loop3A_151 : vector<1x16xf32> to vector<16xf32>
        %parallel_loop3A_153 = arith.addf %parallel_loop3A_148, %parallel_loop3A_152 : vector<16xf32>
        %parallel_loop3A_154 = arith.index_cast %parallel_loop3A_95 : i32 to index
        %parallel_loop3A_155 = arith.constant 32 : index
        %parallel_loop3A_156 = tpu.vector_load %arg10[%parallel_loop3A_154, %parallel_loop3A_155] {strides = array<i32>} : memref<100x128xf32, #tpu.memory_space<vmem>>, vector<1x16xf32>,
        %parallel_loop3A_157 = vector.shape_cast %parallel_loop3A_156 : vector<1x16xf32> to vector<16xf32>
        %parallel_loop3A_158 = vector.shape_cast %parallel_loop3A_153 : vector<16xf32> to vector<1x16xf32>
        tpu.vector_store %arg10[%parallel_loop3A_154, %parallel_loop3A_155], %parallel_loop3A_158 {strides = array<i32>} : memref<100x128xf32, #tpu.memory_space<vmem>>, vector<1x16xf32>,
        %parallel_loop3A_159 = arith.constant 2 : i32
        %parallel_loop3A_160 = arith.muli %parallel_loop3A_159, %parallel_loop3A_95 : i32
        %parallel_loop3A_161 = arith.constant 0 : i32
        %parallel_loop3A_162 = arith.addi %parallel_loop3A_160, %parallel_loop3A_161 : i32
        %parallel_loop3A_163 = arith.index_cast %parallel_loop3A_162 : i32 to index
        %parallel_loop3A_164 = arith.constant 48 : index
        %parallel_loop3A_165 = tpu.vector_load %arg8[%parallel_loop3A_163, %parallel_loop3A_164] {strides = array<i32>} : memref<200x64xf32, #tpu.memory_space<vmem>>, vector<1x16xf32>,
        %parallel_loop3A_166 = vector.shape_cast %parallel_loop3A_165 : vector<1x16xf32> to vector<16xf32>
        %parallel_loop3A_167 = arith.constant 8.000000e+00 : f32
        %parallel_loop3A_168 = vector.broadcast %parallel_loop3A_167 : f32 to vector<16xf32>
        %parallel_loop3A_169 = arith.mulf %parallel_loop3A_166, %parallel_loop3A_168 : vector<16xf32>
        %parallel_loop3A_170 = arith.index_cast %parallel_loop3A_95 : i32 to index
        %parallel_loop3A_171 = arith.constant 48 : index
        %parallel_loop3A_172 = tpu.vector_load %arg12[%parallel_loop3A_170, %parallel_loop3A_171] {strides = array<i32>} : memref<100x128xf32, #tpu.memory_space<vmem>>, vector<1x16xf32>,
        %parallel_loop3A_173 = vector.shape_cast %parallel_loop3A_172 : vector<1x16xf32> to vector<16xf32>
        %parallel_loop3A_174 = arith.addf %parallel_loop3A_169, %parallel_loop3A_173 : vector<16xf32>
        %parallel_loop3A_175 = arith.index_cast %parallel_loop3A_95 : i32 to index
        %parallel_loop3A_176 = arith.constant 48 : index
        %parallel_loop3A_177 = tpu.vector_load %arg10[%parallel_loop3A_175, %parallel_loop3A_176] {strides = array<i32>} : memref<100x128xf32, #tpu.memory_space<vmem>>, vector<1x16xf32>,
        %parallel_loop3A_178 = vector.shape_cast %parallel_loop3A_177 : vector<1x16xf32> to vector<16xf32>
        %parallel_loop3A_179 = vector.shape_cast %parallel_loop3A_174 : vector<16xf32> to vector<1x16xf32>
        tpu.vector_store %arg10[%parallel_loop3A_175, %parallel_loop3A_176], %parallel_loop3A_179 {strides = array<i32>} : memref<100x128xf32, #tpu.memory_space<vmem>>, vector<1x16xf32>,
        %parallel_loop3A_180 = arith.constant 2 : i32
        %parallel_loop3A_181 = arith.muli %parallel_loop3A_180, %parallel_loop3A_95 : i32
        %parallel_loop3A_182 = arith.constant 1 : i32
        %parallel_loop3A_183 = arith.addi %parallel_loop3A_181, %parallel_loop3A_182 : i32
        %parallel_loop3A_184 = arith.index_cast %parallel_loop3A_183 : i32 to index
        %parallel_loop3A_185 = arith.constant 0 : index
        %parallel_loop3A_186 = tpu.vector_load %arg8[%parallel_loop3A_184, %parallel_loop3A_185] {strides = array<i32>} : memref<200x64xf32, #tpu.memory_space<vmem>>, vector<1x16xf32>,
        %parallel_loop3A_187 = vector.shape_cast %parallel_loop3A_186 : vector<1x16xf32> to vector<16xf32>
        %parallel_loop3A_188 = arith.constant 8.000000e+00 : f32
        %parallel_loop3A_189 = vector.broadcast %parallel_loop3A_188 : f32 to vector<16xf32>
        %parallel_loop3A_190 = arith.mulf %parallel_loop3A_187, %parallel_loop3A_189 : vector<16xf32>
        %parallel_loop3A_191 = arith.index_cast %parallel_loop3A_95 : i32 to index
        %parallel_loop3A_192 = arith.constant 64 : index
        %parallel_loop3A_193 = tpu.vector_load %arg12[%parallel_loop3A_191, %parallel_loop3A_192] {strides = array<i32>} : memref<100x128xf32, #tpu.memory_space<vmem>>, vector<1x16xf32>,
        %parallel_loop3A_194 = vector.shape_cast %parallel_loop3A_193 : vector<1x16xf32> to vector<16xf32>
        %parallel_loop3A_195 = arith.addf %parallel_loop3A_190, %parallel_loop3A_194 : vector<16xf32>
        %parallel_loop3A_196 = arith.index_cast %parallel_loop3A_95 : i32 to index
        %parallel_loop3A_197 = arith.constant 64 : index
        %parallel_loop3A_198 = tpu.vector_load %arg10[%parallel_loop3A_196, %parallel_loop3A_197] {strides = array<i32>} : memref<100x128xf32, #tpu.memory_space<vmem>>, vector<1x16xf32>,
        %parallel_loop3A_199 = vector.shape_cast %parallel_loop3A_198 : vector<1x16xf32> to vector<16xf32>
        %parallel_loop3A_200 = vector.shape_cast %parallel_loop3A_195 : vector<16xf32> to vector<1x16xf32>
        tpu.vector_store %arg10[%parallel_loop3A_196, %parallel_loop3A_197], %parallel_loop3A_200 {strides = array<i32>} : memref<100x128xf32, #tpu.memory_space<vmem>>, vector<1x16xf32>,
        %parallel_loop3A_201 = arith.constant 2 : i32
        %parallel_loop3A_202 = arith.muli %parallel_loop3A_201, %parallel_loop3A_95 : i32
        %parallel_loop3A_203 = arith.constant 1 : i32
        %parallel_loop3A_204 = arith.addi %parallel_loop3A_202, %parallel_loop3A_203 : i32
        %parallel_loop3A_205 = arith.index_cast %parallel_loop3A_204 : i32 to index
        %parallel_loop3A_206 = arith.constant 16 : index
        %parallel_loop3A_207 = tpu.vector_load %arg8[%parallel_loop3A_205, %parallel_loop3A_206] {strides = array<i32>} : memref<200x64xf32, #tpu.memory_space<vmem>>, vector<1x16xf32>,
        %parallel_loop3A_208 = vector.shape_cast %parallel_loop3A_207 : vector<1x16xf32> to vector<16xf32>
        %parallel_loop3A_209 = arith.constant 8.000000e+00 : f32
        %parallel_loop3A_210 = vector.broadcast %parallel_loop3A_209 : f32 to vector<16xf32>
        %parallel_loop3A_211 = arith.mulf %parallel_loop3A_208, %parallel_loop3A_210 : vector<16xf32>
        %parallel_loop3A_212 = arith.index_cast %parallel_loop3A_95 : i32 to index
        %parallel_loop3A_213 = arith.constant 80 : index
        %parallel_loop3A_214 = tpu.vector_load %arg12[%parallel_loop3A_212, %parallel_loop3A_213] {strides = array<i32>} : memref<100x128xf32, #tpu.memory_space<vmem>>, vector<1x16xf32>,
        %parallel_loop3A_215 = vector.shape_cast %parallel_loop3A_214 : vector<1x16xf32> to vector<16xf32>
        %parallel_loop3A_216 = arith.addf %parallel_loop3A_211, %parallel_loop3A_215 : vector<16xf32>
        %parallel_loop3A_217 = arith.index_cast %parallel_loop3A_95 : i32 to index
        %parallel_loop3A_218 = arith.constant 80 : index
        %parallel_loop3A_219 = tpu.vector_load %arg10[%parallel_loop3A_217, %parallel_loop3A_218] {strides = array<i32>} : memref<100x128xf32, #tpu.memory_space<vmem>>, vector<1x16xf32>,
        %parallel_loop3A_220 = vector.shape_cast %parallel_loop3A_219 : vector<1x16xf32> to vector<16xf32>
        %parallel_loop3A_221 = vector.shape_cast %parallel_loop3A_216 : vector<16xf32> to vector<1x16xf32>
        tpu.vector_store %arg10[%parallel_loop3A_217, %parallel_loop3A_218], %parallel_loop3A_221 {strides = array<i32>} : memref<100x128xf32, #tpu.memory_space<vmem>>, vector<1x16xf32>,
        %parallel_loop3A_222 = arith.constant 2 : i32
        %parallel_loop3A_223 = arith.muli %parallel_loop3A_222, %parallel_loop3A_95 : i32
        %parallel_loop3A_224 = arith.constant 1 : i32
        %parallel_loop3A_225 = arith.addi %parallel_loop3A_223, %parallel_loop3A_224 : i32
        %parallel_loop3A_226 = arith.index_cast %parallel_loop3A_225 : i32 to index
        %parallel_loop3A_227 = arith.constant 32 : index
        %parallel_loop3A_228 = tpu.vector_load %arg8[%parallel_loop3A_226, %parallel_loop3A_227] {strides = array<i32>} : memref<200x64xf32, #tpu.memory_space<vmem>>, vector<1x16xf32>,
        %parallel_loop3A_229 = vector.shape_cast %parallel_loop3A_228 : vector<1x16xf32> to vector<16xf32>
        %parallel_loop3A_230 = arith.constant 8.000000e+00 : f32
        %parallel_loop3A_231 = vector.broadcast %parallel_loop3A_230 : f32 to vector<16xf32>
        %parallel_loop3A_232 = arith.mulf %parallel_loop3A_229, %parallel_loop3A_231 : vector<16xf32>
        %parallel_loop3A_233 = arith.index_cast %parallel_loop3A_95 : i32 to index
        %parallel_loop3A_234 = arith.constant 96 : index
        %parallel_loop3A_235 = tpu.vector_load %arg12[%parallel_loop3A_233, %parallel_loop3A_234] {strides = array<i32>} : memref<100x128xf32, #tpu.memory_space<vmem>>, vector<1x16xf32>,
        %parallel_loop3A_236 = vector.shape_cast %parallel_loop3A_235 : vector<1x16xf32> to vector<16xf32>
        %parallel_loop3A_237 = arith.addf %parallel_loop3A_232, %parallel_loop3A_236 : vector<16xf32>
        %parallel_loop3A_238 = arith.index_cast %parallel_loop3A_95 : i32 to index
        %parallel_loop3A_239 = arith.constant 96 : index
        %parallel_loop3A_240 = tpu.vector_load %arg10[%parallel_loop3A_238, %parallel_loop3A_239] {strides = array<i32>} : memref<100x128xf32, #tpu.memory_space<vmem>>, vector<1x16xf32>,
        %parallel_loop3A_241 = vector.shape_cast %parallel_loop3A_240 : vector<1x16xf32> to vector<16xf32>
        %parallel_loop3A_242 = vector.shape_cast %parallel_loop3A_237 : vector<16xf32> to vector<1x16xf32>
        tpu.vector_store %arg10[%parallel_loop3A_238, %parallel_loop3A_239], %parallel_loop3A_242 {strides = array<i32>} : memref<100x128xf32, #tpu.memory_space<vmem>>, vector<1x16xf32>,
        %parallel_loop3A_243 = arith.constant 2 : i32
        %parallel_loop3A_244 = arith.muli %parallel_loop3A_243, %parallel_loop3A_95 : i32
        %parallel_loop3A_245 = arith.constant 1 : i32
        %parallel_loop3A_246 = arith.addi %parallel_loop3A_244, %parallel_loop3A_245 : i32
        %parallel_loop3A_247 = arith.index_cast %parallel_loop3A_246 : i32 to index
        %parallel_loop3A_248 = arith.constant 48 : index
        %parallel_loop3A_249 = tpu.vector_load %arg8[%parallel_loop3A_247, %parallel_loop3A_248] {strides = array<i32>} : memref<200x64xf32, #tpu.memory_space<vmem>>, vector<1x16xf32>,
        %parallel_loop3A_250 = vector.shape_cast %parallel_loop3A_249 : vector<1x16xf32> to vector<16xf32>
        %parallel_loop3A_251 = arith.constant 8.000000e+00 : f32
        %parallel_loop3A_252 = vector.broadcast %parallel_loop3A_251 : f32 to vector<16xf32>
        %parallel_loop3A_253 = arith.mulf %parallel_loop3A_250, %parallel_loop3A_252 : vector<16xf32>
        %parallel_loop3A_254 = arith.index_cast %parallel_loop3A_95 : i32 to index
        %parallel_loop3A_255 = arith.constant 112 : index
        %parallel_loop3A_256 = tpu.vector_load %arg12[%parallel_loop3A_254, %parallel_loop3A_255] {strides = array<i32>} : memref<100x128xf32, #tpu.memory_space<vmem>>, vector<1x16xf32>,
        %parallel_loop3A_257 = vector.shape_cast %parallel_loop3A_256 : vector<1x16xf32> to vector<16xf32>
        %parallel_loop3A_258 = arith.addf %parallel_loop3A_253, %parallel_loop3A_257 : vector<16xf32>
        %parallel_loop3A_259 = arith.index_cast %parallel_loop3A_95 : i32 to index
        %parallel_loop3A_260 = arith.constant 112 : index
        %parallel_loop3A_261 = tpu.vector_load %arg10[%parallel_loop3A_259, %parallel_loop3A_260] {strides = array<i32>} : memref<100x128xf32, #tpu.memory_space<vmem>>, vector<1x16xf32>,
        %parallel_loop3A_262 = vector.shape_cast %parallel_loop3A_261 : vector<1x16xf32> to vector<16xf32>
        %parallel_loop3A_263 = vector.shape_cast %parallel_loop3A_258 : vector<16xf32> to vector<1x16xf32>
        tpu.vector_store %arg10[%parallel_loop3A_259, %parallel_loop3A_260], %parallel_loop3A_263 {strides = array<i32>} : memref<100x128xf32, #tpu.memory_space<vmem>>, vector<1x16xf32>,
      } {sc.loop_unroll_factor = 4 : i64, sc.parallel_access}
      %mul3A_51 = arith.constant 12800 : i32
      %mul3A_52 = arith.muli %add3A, %mul3A_51 : i32
      %mul3A_53 = arith.constant 100 : i32
      %mul3A_54 = arith.muli %add3A_34, %mul3A_53 : i32
      %add3A_55 = arith.addi %mul3A_52, %mul3A_54 : i32
      %dma_start3A_56 = arith.constant 0 : i32
      %dma_start3A_57 = tpu.memref_slice %arg5[%add3A_55, %dma_start3A_56] : memref<409600x128xf32, #tpu.memory_space<hbm>> -> memref<100x128xf32, #tpu.memory_space<hbm>>
      %dma_start3A_58 = arith.constant 0 : i32
      %dma_start3A_59 = tpu.memref_slice %arg5[%add3A_55, %dma_start3A_58] : memref<409600x128xf32, #tpu.memory_space<hbm>> -> memref<100x128xf32, #tpu.memory_space<hbm>>
      tpu.enqueue_dma source(%arg10 : memref<100x128xf32, #tpu.memory_space<vmem>>) target(%dma_start3A_59 : memref<100x128xf32, #tpu.memory_space<hbm>>) target_semaphore(%arg14 : memref<!tpu.dma_semaphore, #tpu.memory_space<semaphore_mem>>)
      %mul3A_60 = arith.constant 2 : i32
      %mul3A_61 = arith.muli %mul3A_60, %scan3A_30 : i32
      %add3A_62 = arith.constant 1 : i32
      %add3A_63 = arith.addi %mul3A_61, %add3A_62 : i32
      %dma_wait3A_64 = arith.constant 0 : i32
      %dma_wait3A_65 = arith.constant 0 : i32
      %dma_wait3A_66 = tpu.memref_slice %arg5[%dma_wait3A_64, %dma_wait3A_65] : memref<409600x128xf32, #tpu.memory_space<hbm>> -> memref<100x128xf32, #tpu.memory_space<hbm>>
      %dma_wait3A_67 = arith.constant 0 : i32
      %dma_wait3A_68 = arith.constant 0 : i32
      %dma_wait3A_69 = tpu.memref_slice %arg5[%dma_wait3A_67, %dma_wait3A_68] : memref<409600x128xf32, #tpu.memory_space<hbm>> -> memref<100x128xf32, #tpu.memory_space<hbm>>
      tpu.wait_dma2 semaphore(%arg14 : memref<!tpu.dma_semaphore, #tpu.memory_space<semaphore_mem>>) src(%arg10 : memref<100x128xf32, #tpu.memory_space<vmem>>) dst(%dma_wait3A_69 : memref<100x128xf32, #tpu.memory_space<hbm>>)
      %dma_wait3A_70 = arith.constant 0 : i32
      %dma_wait3A_71 = arith.constant 0 : i32
      %dma_wait3A_72 = tpu.memref_slice %arg5[%dma_wait3A_70, %dma_wait3A_71] : memref<409600x128xf32, #tpu.memory_space<hbm>> -> memref<100x128xf32, #tpu.memory_space<hbm>>
      %dma_wait3A_73 = arith.constant 0 : i32
      %dma_wait3A_74 = arith.constant 0 : i32
      %dma_wait3A_75 = tpu.memref_slice %arg5[%dma_wait3A_73, %dma_wait3A_74] : memref<409600x128xf32, #tpu.memory_space<hbm>> -> memref<100x128xf32, #tpu.memory_space<hbm>>
      tpu.wait_dma2 semaphore(%arg13 : memref<!tpu.dma_semaphore, #tpu.memory_space<semaphore_mem>>) src(%dma_wait3A_75 : memref<100x128xf32, #tpu.memory_space<hbm>>) dst(%arg9 : memref<200x64xf32, #tpu.memory_space<vmem>>)
      %add3A_76 = arith.constant 1 : i32
      %add3A_77 = arith.addi %add3A_63, %add3A_76 : i32
      %lt3A_78 = arith.constant 128 : i32
      %lt3A_79 = arith.cmpi slt, %add3A_77, %lt3A_78 : i32
      %convert_element_type3A_80 = arith.extui %lt3A_79 : i1 to i32
      %cond3A_81 = arith.constant 0 : i32
      %cond3A_82 = arith.cmpi ne, %convert_element_type3A_80, %cond3A_81 : i32
      scf.if %cond3A_82 {
        %add3A_95 = arith.constant 1 : i32
        %add3A_96 = arith.addi %add3A_63, %add3A_95 : i32
        %mul3A_97 = arith.constant 200 : i32
        %mul3A_98 = arith.muli %add3A_96, %mul3A_97 : i32
        %add3A_99 = arith.addi %mul3A_2, %mul3A_98 : i32
        "tpu.region"() ({
          %run_scoped3A = tpu.sem_alloc : memref<!tpu.dma_semaphore, #tpu.memory_space<semaphore_mem>>
          %dma_start3A_116 = tpu.memref_slice %arg2[%add3A_99] : memref<819200xi32, #tpu.memory_space<hbm>> -> memref<200xi32, #tpu.memory_space<hbm>>
          %dma_start3A_117 = tpu.memref_slice %arg2[%add3A_99] : memref<819200xi32, #tpu.memory_space<hbm>> -> memref<200xi32, #tpu.memory_space<hbm>>
          tpu.enqueue_dma source(%dma_start3A_117 : memref<200xi32, #tpu.memory_space<hbm>>) target(%arg6 : memref<200xi32, #tpu.memory_space<vmem>>) target_semaphore(%run_scoped3A : memref<!tpu.dma_semaphore, #tpu.memory_space<semaphore_mem>>)
          %dma_wait3A_118 = tpu.memref_slice %arg2[%add3A_99] : memref<819200xi32, #tpu.memory_space<hbm>> -> memref<200xi32, #tpu.memory_space<hbm>>
          %dma_wait3A_119 = tpu.memref_slice %arg2[%add3A_99] : memref<819200xi32, #tpu.memory_space<hbm>> -> memref<200xi32, #tpu.memory_space<hbm>>
          tpu.wait_dma2 semaphore(%run_scoped3A : memref<!tpu.dma_semaphore, #tpu.memory_space<semaphore_mem>>) src(%dma_wait3A_119 : memref<200xi32, #tpu.memory_space<hbm>>) dst(%arg6 : memref<200xi32, #tpu.memory_space<vmem>>)
          tpu.yield
        }) : () -> ()
        %dma_start3A_100 = arith.constant 0 : i32
        %dma_start3A_101 = arith.constant 0 : i32
        %dma_start3A_102 = tpu.memref_slice %arg8[%dma_start3A_100, %dma_start3A_101] : memref<200x64xf32, #tpu.memory_space<vmem>> -> memref<128x64xf32, #tpu.memory_space<vmem>>
        %dma_start3A_103 = arith.constant 0 : i32
        %dma_start3A_104 = tpu.memref_slice %arg6[%dma_start3A_103] : memref<200xi32, #tpu.memory_space<vmem>> -> memref<128xi32, #tpu.memory_space<vmem>>
        %dma_start3A_105 = arith.constant 0 : i32
        %dma_start3A_106 = arith.constant 0 : i32
        %dma_start3A_107 = tpu.memref_slice %arg3[%dma_start3A_105, %dma_start3A_106] : memref<1000000x64xf32, #tpu.memory_space<hbm>> -> memref<1000000x64xf32, #tpu.memory_space<hbm>>
        tpu.enqueue_indirect_dma source(%dma_start3A_107 : memref<1000000x64xf32, #tpu.memory_space<hbm>>) target(%dma_start3A_102 : memref<128x64xf32, #tpu.memory_space<vmem>>) offsets(%dma_start3A_104 : memref<128xi32, #tpu.memory_space<vmem>>) semaphore(%arg13 : memref<!tpu.dma_semaphore, #tpu.memory_space<semaphore_mem>>)
        %dma_start3A_108 = arith.constant 128 : i32
        %dma_start3A_109 = arith.constant 0 : i32
        %dma_start3A_110 = tpu.memref_slice %arg8[%dma_start3A_108, %dma_start3A_109] : memref<200x64xf32, #tpu.memory_space<vmem>> -> memref<72x64xf32, #tpu.memory_space<vmem>>
        %dma_start3A_111 = arith.constant 128 : i32
        %dma_start3A_112 = tpu.memref_slice %arg6[%dma_start3A_111] : memref<200xi32, #tpu.memory_space<vmem>> -> memref<72xi32, #tpu.memory_space<vmem>>
        %dma_start3A_113 = arith.constant 0 : i32
        %dma_start3A_114 = arith.constant 0 : i32
        %dma_start3A_115 = tpu.memref_slice %arg3[%dma_start3A_113, %dma_start3A_114] : memref<1000000x64xf32, #tpu.memory_space<hbm>> -> memref<1000000x64xf32, #tpu.memory_space<hbm>>
        tpu.enqueue_indirect_dma source(%dma_start3A_115 : memref<1000000x64xf32, #tpu.memory_space<hbm>>) target(%dma_start3A_110 : memref<72x64xf32, #tpu.memory_space<vmem>>) offsets(%dma_start3A_112 : memref<72xi32, #tpu.memory_space<vmem>>) semaphore(%arg13 : memref<!tpu.dma_semaphore, #tpu.memory_space<semaphore_mem>>)
      } else {
      }
      %parallel_loop3A_83 = arith.constant 0 : i32
      %parallel_loop3A_84 = arith.constant 100 : i32
      %parallel_loop3A_85 = arith.constant 1 : i32
      scf.for %parallel_loop3A_95 = %parallel_loop3A_83 to %parallel_loop3A_84 step %parallel_loop3A_85  : i32 {
        %parallel_loop3A_96 = arith.constant 2 : i32
        %parallel_loop3A_97 = arith.muli %parallel_loop3A_96, %parallel_loop3A_95 : i32
        %parallel_loop3A_98 = arith.constant 0 : i32
        %parallel_loop3A_99 = arith.addi %parallel_loop3A_97, %parallel_loop3A_98 : i32
        %parallel_loop3A_100 = arith.index_cast %parallel_loop3A_99 : i32 to index
        %parallel_loop3A_101 = arith.constant 0 : index
        %parallel_loop3A_102 = tpu.vector_load %arg9[%parallel_loop3A_100, %parallel_loop3A_101] {strides = array<i32>} : memref<200x64xf32, #tpu.memory_space<vmem>>, vector<1x16xf32>,
        %parallel_loop3A_103 = vector.shape_cast %parallel_loop3A_102 : vector<1x16xf32> to vector<16xf32>
        %parallel_loop3A_104 = arith.constant 8.000000e+00 : f32
        %parallel_loop3A_105 = vector.broadcast %parallel_loop3A_104 : f32 to vector<16xf32>
        %parallel_loop3A_106 = arith.mulf %parallel_loop3A_103, %parallel_loop3A_105 : vector<16xf32>
        %parallel_loop3A_107 = arith.index_cast %parallel_loop3A_95 : i32 to index
        %parallel_loop3A_108 = arith.constant 0 : index
        %parallel_loop3A_109 = tpu.vector_load %arg12[%parallel_loop3A_107, %parallel_loop3A_108] {strides = array<i32>} : memref<100x128xf32, #tpu.memory_space<vmem>>, vector<1x16xf32>,
        %parallel_loop3A_110 = vector.shape_cast %parallel_loop3A_109 : vector<1x16xf32> to vector<16xf32>
        %parallel_loop3A_111 = arith.addf %parallel_loop3A_106, %parallel_loop3A_110 : vector<16xf32>
        %parallel_loop3A_112 = arith.index_cast %parallel_loop3A_95 : i32 to index
        %parallel_loop3A_113 = arith.constant 0 : index
        %parallel_loop3A_114 = tpu.vector_load %arg11[%parallel_loop3A_112, %parallel_loop3A_113] {strides = array<i32>} : memref<100x128xf32, #tpu.memory_space<vmem>>, vector<1x16xf32>,
        %parallel_loop3A_115 = vector.shape_cast %parallel_loop3A_114 : vector<1x16xf32> to vector<16xf32>
        %parallel_loop3A_116 = vector.shape_cast %parallel_loop3A_111 : vector<16xf32> to vector<1x16xf32>
        tpu.vector_store %arg11[%parallel_loop3A_112, %parallel_loop3A_113], %parallel_loop3A_116 {strides = array<i32>} : memref<100x128xf32, #tpu.memory_space<vmem>>, vector<1x16xf32>,
        %parallel_loop3A_117 = arith.constant 2 : i32
        %parallel_loop3A_118 = arith.muli %parallel_loop3A_117, %parallel_loop3A_95 : i32
        %parallel_loop3A_119 = arith.constant 0 : i32
        %parallel_loop3A_120 = arith.addi %parallel_loop3A_118, %parallel_loop3A_119 : i32
        %parallel_loop3A_121 = arith.index_cast %parallel_loop3A_120 : i32 to index
        %parallel_loop3A_122 = arith.constant 16 : index
        %parallel_loop3A_123 = tpu.vector_load %arg9[%parallel_loop3A_121, %parallel_loop3A_122] {strides = array<i32>} : memref<200x64xf32, #tpu.memory_space<vmem>>, vector<1x16xf32>,
        %parallel_loop3A_124 = vector.shape_cast %parallel_loop3A_123 : vector<1x16xf32> to vector<16xf32>
        %parallel_loop3A_125 = arith.constant 8.000000e+00 : f32
        %parallel_loop3A_126 = vector.broadcast %parallel_loop3A_125 : f32 to vector<16xf32>
        %parallel_loop3A_127 = arith.mulf %parallel_loop3A_124, %parallel_loop3A_126 : vector<16xf32>
        %parallel_loop3A_128 = arith.index_cast %parallel_loop3A_95 : i32 to index
        %parallel_loop3A_129 = arith.constant 16 : index
        %parallel_loop3A_130 = tpu.vector_load %arg12[%parallel_loop3A_128, %parallel_loop3A_129] {strides = array<i32>} : memref<100x128xf32, #tpu.memory_space<vmem>>, vector<1x16xf32>,
        %parallel_loop3A_131 = vector.shape_cast %parallel_loop3A_130 : vector<1x16xf32> to vector<16xf32>
        %parallel_loop3A_132 = arith.addf %parallel_loop3A_127, %parallel_loop3A_131 : vector<16xf32>
        %parallel_loop3A_133 = arith.index_cast %parallel_loop3A_95 : i32 to index
        %parallel_loop3A_134 = arith.constant 16 : index
        %parallel_loop3A_135 = tpu.vector_load %arg11[%parallel_loop3A_133, %parallel_loop3A_134] {strides = array<i32>} : memref<100x128xf32, #tpu.memory_space<vmem>>, vector<1x16xf32>,
        %parallel_loop3A_136 = vector.shape_cast %parallel_loop3A_135 : vector<1x16xf32> to vector<16xf32>
        %parallel_loop3A_137 = vector.shape_cast %parallel_loop3A_132 : vector<16xf32> to vector<1x16xf32>
        tpu.vector_store %arg11[%parallel_loop3A_133, %parallel_loop3A_134], %parallel_loop3A_137 {strides = array<i32>} : memref<100x128xf32, #tpu.memory_space<vmem>>, vector<1x16xf32>,
        %parallel_loop3A_138 = arith.constant 2 : i32
        %parallel_loop3A_139 = arith.muli %parallel_loop3A_138, %parallel_loop3A_95 : i32
        %parallel_loop3A_140 = arith.constant 0 : i32
        %parallel_loop3A_141 = arith.addi %parallel_loop3A_139, %parallel_loop3A_140 : i32
        %parallel_loop3A_142 = arith.index_cast %parallel_loop3A_141 : i32 to index
        %parallel_loop3A_143 = arith.constant 32 : index
        %parallel_loop3A_144 = tpu.vector_load %arg9[%parallel_loop3A_142, %parallel_loop3A_143] {strides = array<i32>} : memref<200x64xf32, #tpu.memory_space<vmem>>, vector<1x16xf32>,
        %parallel_loop3A_145 = vector.shape_cast %parallel_loop3A_144 : vector<1x16xf32> to vector<16xf32>
        %parallel_loop3A_146 = arith.constant 8.000000e+00 : f32
        %parallel_loop3A_147 = vector.broadcast %parallel_loop3A_146 : f32 to vector<16xf32>
        %parallel_loop3A_148 = arith.mulf %parallel_loop3A_145, %parallel_loop3A_147 : vector<16xf32>
        %parallel_loop3A_149 = arith.index_cast %parallel_loop3A_95 : i32 to index
        %parallel_loop3A_150 = arith.constant 32 : index
        %parallel_loop3A_151 = tpu.vector_load %arg12[%parallel_loop3A_149, %parallel_loop3A_150] {strides = array<i32>} : memref<100x128xf32, #tpu.memory_space<vmem>>, vector<1x16xf32>,
        %parallel_loop3A_152 = vector.shape_cast %parallel_loop3A_151 : vector<1x16xf32> to vector<16xf32>
        %parallel_loop3A_153 = arith.addf %parallel_loop3A_148, %parallel_loop3A_152 : vector<16xf32>
        %parallel_loop3A_154 = arith.index_cast %parallel_loop3A_95 : i32 to index
        %parallel_loop3A_155 = arith.constant 32 : index
        %parallel_loop3A_156 = tpu.vector_load %arg11[%parallel_loop3A_154, %parallel_loop3A_155] {strides = array<i32>} : memref<100x128xf32, #tpu.memory_space<vmem>>, vector<1x16xf32>,
        %parallel_loop3A_157 = vector.shape_cast %parallel_loop3A_156 : vector<1x16xf32> to vector<16xf32>
        %parallel_loop3A_158 = vector.shape_cast %parallel_loop3A_153 : vector<16xf32> to vector<1x16xf32>
        tpu.vector_store %arg11[%parallel_loop3A_154, %parallel_loop3A_155], %parallel_loop3A_158 {strides = array<i32>} : memref<100x128xf32, #tpu.memory_space<vmem>>, vector<1x16xf32>,
        %parallel_loop3A_159 = arith.constant 2 : i32
        %parallel_loop3A_160 = arith.muli %parallel_loop3A_159, %parallel_loop3A_95 : i32
        %parallel_loop3A_161 = arith.constant 0 : i32
        %parallel_loop3A_162 = arith.addi %parallel_loop3A_160, %parallel_loop3A_161 : i32
        %parallel_loop3A_163 = arith.index_cast %parallel_loop3A_162 : i32 to index
        %parallel_loop3A_164 = arith.constant 48 : index
        %parallel_loop3A_165 = tpu.vector_load %arg9[%parallel_loop3A_163, %parallel_loop3A_164] {strides = array<i32>} : memref<200x64xf32, #tpu.memory_space<vmem>>, vector<1x16xf32>,
        %parallel_loop3A_166 = vector.shape_cast %parallel_loop3A_165 : vector<1x16xf32> to vector<16xf32>
        %parallel_loop3A_167 = arith.constant 8.000000e+00 : f32
        %parallel_loop3A_168 = vector.broadcast %parallel_loop3A_167 : f32 to vector<16xf32>
        %parallel_loop3A_169 = arith.mulf %parallel_loop3A_166, %parallel_loop3A_168 : vector<16xf32>
        %parallel_loop3A_170 = arith.index_cast %parallel_loop3A_95 : i32 to index
        %parallel_loop3A_171 = arith.constant 48 : index
        %parallel_loop3A_172 = tpu.vector_load %arg12[%parallel_loop3A_170, %parallel_loop3A_171] {strides = array<i32>} : memref<100x128xf32, #tpu.memory_space<vmem>>, vector<1x16xf32>,
        %parallel_loop3A_173 = vector.shape_cast %parallel_loop3A_172 : vector<1x16xf32> to vector<16xf32>
        %parallel_loop3A_174 = arith.addf %parallel_loop3A_169, %parallel_loop3A_173 : vector<16xf32>
        %parallel_loop3A_175 = arith.index_cast %parallel_loop3A_95 : i32 to index
        %parallel_loop3A_176 = arith.constant 48 : index
        %parallel_loop3A_177 = tpu.vector_load %arg11[%parallel_loop3A_175, %parallel_loop3A_176] {strides = array<i32>} : memref<100x128xf32, #tpu.memory_space<vmem>>, vector<1x16xf32>,
        %parallel_loop3A_178 = vector.shape_cast %parallel_loop3A_177 : vector<1x16xf32> to vector<16xf32>
        %parallel_loop3A_179 = vector.shape_cast %parallel_loop3A_174 : vector<16xf32> to vector<1x16xf32>
        tpu.vector_store %arg11[%parallel_loop3A_175, %parallel_loop3A_176], %parallel_loop3A_179 {strides = array<i32>} : memref<100x128xf32, #tpu.memory_space<vmem>>, vector<1x16xf32>,
        %parallel_loop3A_180 = arith.constant 2 : i32
        %parallel_loop3A_181 = arith.muli %parallel_loop3A_180, %parallel_loop3A_95 : i32
        %parallel_loop3A_182 = arith.constant 1 : i32
        %parallel_loop3A_183 = arith.addi %parallel_loop3A_181, %parallel_loop3A_182 : i32
        %parallel_loop3A_184 = arith.index_cast %parallel_loop3A_183 : i32 to index
        %parallel_loop3A_185 = arith.constant 0 : index
        %parallel_loop3A_186 = tpu.vector_load %arg9[%parallel_loop3A_184, %parallel_loop3A_185] {strides = array<i32>} : memref<200x64xf32, #tpu.memory_space<vmem>>, vector<1x16xf32>,
        %parallel_loop3A_187 = vector.shape_cast %parallel_loop3A_186 : vector<1x16xf32> to vector<16xf32>
        %parallel_loop3A_188 = arith.constant 8.000000e+00 : f32
        %parallel_loop3A_189 = vector.broadcast %parallel_loop3A_188 : f32 to vector<16xf32>
        %parallel_loop3A_190 = arith.mulf %parallel_loop3A_187, %parallel_loop3A_189 : vector<16xf32>
        %parallel_loop3A_191 = arith.index_cast %parallel_loop3A_95 : i32 to index
        %parallel_loop3A_192 = arith.constant 64 : index
        %parallel_loop3A_193 = tpu.vector_load %arg12[%parallel_loop3A_191, %parallel_loop3A_192] {strides = array<i32>} : memref<100x128xf32, #tpu.memory_space<vmem>>, vector<1x16xf32>,
        %parallel_loop3A_194 = vector.shape_cast %parallel_loop3A_193 : vector<1x16xf32> to vector<16xf32>
        %parallel_loop3A_195 = arith.addf %parallel_loop3A_190, %parallel_loop3A_194 : vector<16xf32>
        %parallel_loop3A_196 = arith.index_cast %parallel_loop3A_95 : i32 to index
        %parallel_loop3A_197 = arith.constant 64 : index
        %parallel_loop3A_198 = tpu.vector_load %arg11[%parallel_loop3A_196, %parallel_loop3A_197] {strides = array<i32>} : memref<100x128xf32, #tpu.memory_space<vmem>>, vector<1x16xf32>,
        %parallel_loop3A_199 = vector.shape_cast %parallel_loop3A_198 : vector<1x16xf32> to vector<16xf32>
        %parallel_loop3A_200 = vector.shape_cast %parallel_loop3A_195 : vector<16xf32> to vector<1x16xf32>
        tpu.vector_store %arg11[%parallel_loop3A_196, %parallel_loop3A_197], %parallel_loop3A_200 {strides = array<i32>} : memref<100x128xf32, #tpu.memory_space<vmem>>, vector<1x16xf32>,
        %parallel_loop3A_201 = arith.constant 2 : i32
        %parallel_loop3A_202 = arith.muli %parallel_loop3A_201, %parallel_loop3A_95 : i32
        %parallel_loop3A_203 = arith.constant 1 : i32
        %parallel_loop3A_204 = arith.addi %parallel_loop3A_202, %parallel_loop3A_203 : i32
        %parallel_loop3A_205 = arith.index_cast %parallel_loop3A_204 : i32 to index
        %parallel_loop3A_206 = arith.constant 16 : index
        %parallel_loop3A_207 = tpu.vector_load %arg9[%parallel_loop3A_205, %parallel_loop3A_206] {strides = array<i32>} : memref<200x64xf32, #tpu.memory_space<vmem>>, vector<1x16xf32>,
        %parallel_loop3A_208 = vector.shape_cast %parallel_loop3A_207 : vector<1x16xf32> to vector<16xf32>
        %parallel_loop3A_209 = arith.constant 8.000000e+00 : f32
        %parallel_loop3A_210 = vector.broadcast %parallel_loop3A_209 : f32 to vector<16xf32>
        %parallel_loop3A_211 = arith.mulf %parallel_loop3A_208, %parallel_loop3A_210 : vector<16xf32>
        %parallel_loop3A_212 = arith.index_cast %parallel_loop3A_95 : i32 to index
        %parallel_loop3A_213 = arith.constant 80 : index
        %parallel_loop3A_214 = tpu.vector_load %arg12[%parallel_loop3A_212, %parallel_loop3A_213] {strides = array<i32>} : memref<100x128xf32, #tpu.memory_space<vmem>>, vector<1x16xf32>,
        %parallel_loop3A_215 = vector.shape_cast %parallel_loop3A_214 : vector<1x16xf32> to vector<16xf32>
        %parallel_loop3A_216 = arith.addf %parallel_loop3A_211, %parallel_loop3A_215 : vector<16xf32>
        %parallel_loop3A_217 = arith.index_cast %parallel_loop3A_95 : i32 to index
        %parallel_loop3A_218 = arith.constant 80 : index
        %parallel_loop3A_219 = tpu.vector_load %arg11[%parallel_loop3A_217, %parallel_loop3A_218] {strides = array<i32>} : memref<100x128xf32, #tpu.memory_space<vmem>>, vector<1x16xf32>,
        %parallel_loop3A_220 = vector.shape_cast %parallel_loop3A_219 : vector<1x16xf32> to vector<16xf32>
        %parallel_loop3A_221 = vector.shape_cast %parallel_loop3A_216 : vector<16xf32> to vector<1x16xf32>
        tpu.vector_store %arg11[%parallel_loop3A_217, %parallel_loop3A_218], %parallel_loop3A_221 {strides = array<i32>} : memref<100x128xf32, #tpu.memory_space<vmem>>, vector<1x16xf32>,
        %parallel_loop3A_222 = arith.constant 2 : i32
        %parallel_loop3A_223 = arith.muli %parallel_loop3A_222, %parallel_loop3A_95 : i32
        %parallel_loop3A_224 = arith.constant 1 : i32
        %parallel_loop3A_225 = arith.addi %parallel_loop3A_223, %parallel_loop3A_224 : i32
        %parallel_loop3A_226 = arith.index_cast %parallel_loop3A_225 : i32 to index
        %parallel_loop3A_227 = arith.constant 32 : index
        %parallel_loop3A_228 = tpu.vector_load %arg9[%parallel_loop3A_226, %parallel_loop3A_227] {strides = array<i32>} : memref<200x64xf32, #tpu.memory_space<vmem>>, vector<1x16xf32>,
        %parallel_loop3A_229 = vector.shape_cast %parallel_loop3A_228 : vector<1x16xf32> to vector<16xf32>
        %parallel_loop3A_230 = arith.constant 8.000000e+00 : f32
        %parallel_loop3A_231 = vector.broadcast %parallel_loop3A_230 : f32 to vector<16xf32>
        %parallel_loop3A_232 = arith.mulf %parallel_loop3A_229, %parallel_loop3A_231 : vector<16xf32>
        %parallel_loop3A_233 = arith.index_cast %parallel_loop3A_95 : i32 to index
        %parallel_loop3A_234 = arith.constant 96 : index
        %parallel_loop3A_235 = tpu.vector_load %arg12[%parallel_loop3A_233, %parallel_loop3A_234] {strides = array<i32>} : memref<100x128xf32, #tpu.memory_space<vmem>>, vector<1x16xf32>,
        %parallel_loop3A_236 = vector.shape_cast %parallel_loop3A_235 : vector<1x16xf32> to vector<16xf32>
        %parallel_loop3A_237 = arith.addf %parallel_loop3A_232, %parallel_loop3A_236 : vector<16xf32>
        %parallel_loop3A_238 = arith.index_cast %parallel_loop3A_95 : i32 to index
        %parallel_loop3A_239 = arith.constant 96 : index
        %parallel_loop3A_240 = tpu.vector_load %arg11[%parallel_loop3A_238, %parallel_loop3A_239] {strides = array<i32>} : memref<100x128xf32, #tpu.memory_space<vmem>>, vector<1x16xf32>,
        %parallel_loop3A_241 = vector.shape_cast %parallel_loop3A_240 : vector<1x16xf32> to vector<16xf32>
        %parallel_loop3A_242 = vector.shape_cast %parallel_loop3A_237 : vector<16xf32> to vector<1x16xf32>
        tpu.vector_store %arg11[%parallel_loop3A_238, %parallel_loop3A_239], %parallel_loop3A_242 {strides = array<i32>} : memref<100x128xf32, #tpu.memory_space<vmem>>, vector<1x16xf32>,
        %parallel_loop3A_243 = arith.constant 2 : i32
        %parallel_loop3A_244 = arith.muli %parallel_loop3A_243, %parallel_loop3A_95 : i32
        %parallel_loop3A_245 = arith.constant 1 : i32
        %parallel_loop3A_246 = arith.addi %parallel_loop3A_244, %parallel_loop3A_245 : i32
        %parallel_loop3A_247 = arith.index_cast %parallel_loop3A_246 : i32 to index
        %parallel_loop3A_248 = arith.constant 48 : index
        %parallel_loop3A_249 = tpu.vector_load %arg9[%parallel_loop3A_247, %parallel_loop3A_248] {strides = array<i32>} : memref<200x64xf32, #tpu.memory_space<vmem>>, vector<1x16xf32>,
        %parallel_loop3A_250 = vector.shape_cast %parallel_loop3A_249 : vector<1x16xf32> to vector<16xf32>
        %parallel_loop3A_251 = arith.constant 8.000000e+00 : f32
        %parallel_loop3A_252 = vector.broadcast %parallel_loop3A_251 : f32 to vector<16xf32>
        %parallel_loop3A_253 = arith.mulf %parallel_loop3A_250, %parallel_loop3A_252 : vector<16xf32>
        %parallel_loop3A_254 = arith.index_cast %parallel_loop3A_95 : i32 to index
        %parallel_loop3A_255 = arith.constant 112 : index
        %parallel_loop3A_256 = tpu.vector_load %arg12[%parallel_loop3A_254, %parallel_loop3A_255] {strides = array<i32>} : memref<100x128xf32, #tpu.memory_space<vmem>>, vector<1x16xf32>,
        %parallel_loop3A_257 = vector.shape_cast %parallel_loop3A_256 : vector<1x16xf32> to vector<16xf32>
        %parallel_loop3A_258 = arith.addf %parallel_loop3A_253, %parallel_loop3A_257 : vector<16xf32>
        %parallel_loop3A_259 = arith.index_cast %parallel_loop3A_95 : i32 to index
        %parallel_loop3A_260 = arith.constant 112 : index
        %parallel_loop3A_261 = tpu.vector_load %arg11[%parallel_loop3A_259, %parallel_loop3A_260] {strides = array<i32>} : memref<100x128xf32, #tpu.memory_space<vmem>>, vector<1x16xf32>,
        %parallel_loop3A_262 = vector.shape_cast %parallel_loop3A_261 : vector<1x16xf32> to vector<16xf32>
        %parallel_loop3A_263 = vector.shape_cast %parallel_loop3A_258 : vector<16xf32> to vector<1x16xf32>
        tpu.vector_store %arg11[%parallel_loop3A_259, %parallel_loop3A_260], %parallel_loop3A_263 {strides = array<i32>} : memref<100x128xf32, #tpu.memory_space<vmem>>, vector<1x16xf32>,
      } {sc.loop_unroll_factor = 4 : i64, sc.parallel_access}
      %mul3A_86 = arith.constant 12800 : i32
      %mul3A_87 = arith.muli %add3A, %mul3A_86 : i32
      %mul3A_88 = arith.constant 100 : i32
      %mul3A_89 = arith.muli %add3A_63, %mul3A_88 : i32
      %add3A_90 = arith.addi %mul3A_87, %mul3A_89 : i32
      %dma_start3A_91 = arith.constant 0 : i32
      %dma_start3A_92 = tpu.memref_slice %arg5[%add3A_90, %dma_start3A_91] : memref<409600x128xf32, #tpu.memory_space<hbm>> -> memref<100x128xf32, #tpu.memory_space<hbm>>
      %dma_start3A_93 = arith.constant 0 : i32
      %dma_start3A_94 = tpu.memref_slice %arg5[%add3A_90, %dma_start3A_93] : memref<409600x128xf32, #tpu.memory_space<hbm>> -> memref<100x128xf32, #tpu.memory_space<hbm>>
      tpu.enqueue_dma source(%arg11 : memref<100x128xf32, #tpu.memory_space<vmem>>) target(%dma_start3A_94 : memref<100x128xf32, #tpu.memory_space<hbm>>) target_semaphore(%arg14 : memref<!tpu.dma_semaphore, #tpu.memory_space<semaphore_mem>>)
    }
    %scan3A_24 = arith.constant 64 : i32
    %dma_wait3A = arith.constant 0 : i32
    %dma_wait3A_25 = arith.constant 0 : i32
    %dma_wait3A_26 = tpu.memref_slice %arg5[%dma_wait3A, %dma_wait3A_25] : memref<409600x128xf32, #tpu.memory_space<hbm>> -> memref<100x128xf32, #tpu.memory_space<hbm>>
    %dma_wait3A_27 = arith.constant 0 : i32
    %dma_wait3A_28 = arith.constant 0 : i32
    %dma_wait3A_29 = tpu.memref_slice %arg5[%dma_wait3A_27, %dma_wait3A_28] : memref<409600x128xf32, #tpu.memory_space<hbm>> -> memref<100x128xf32, #tpu.memory_space<hbm>>
    tpu.wait_dma2 semaphore(%arg14 : memref<!tpu.dma_semaphore, #tpu.memory_space<semaphore_mem>>) src(%arg11 : memref<100x128xf32, #tpu.memory_space<vmem>>) dst(%dma_wait3A_29 : memref<100x128xf32, #tpu.memory_space<hbm>>)
    return
  }
}

</mosaic_0001>

<sc_bundles>
// kernel: kernel.3.cloned.1.call-start
scs
__scs_entry_jumppad:
0x0: {  	(pc) =	sbr.rel $0x88, $3  }
0x1: {  	(tag) =	ssettag $0x0;
	lr =	simm.s32 $0x1  }
0x2: {  	[smem:$0x3F9F] =	sst lr;
	_ =	strace $0xD0000000  }
0x3: {  	_ = 	snop  }
0x4: {  	_ = 	snop  }
0x5: {  	_ = 	snop  }
0x6: {  	_ = 	snop  }
0x7: {  	_ = 	snop  }
__scs_overlays_trampoline_lowered:
0x8: {  	[smem:$0x3FAE] =	sst s0  }
0x9: {  	[smem:$0x3FAF] =	sst s1  }
0xa: {  	[smem:$0x3FB0] =	sst s2  }
0xb: {  	[smem:$0x3FB1] =	sst s3  }
0xc: {  	[smem:$0x3FB2] =	sst s4  }
0xd: {  	[smem:$0x3FB3] =	sst s5  }
0xe: {  	[smem:$0x3FB4] =	sst s6  }
0xf: {  	[smem:$0x3FB5] =	sst s7  }
0x10: {  	[smem:$0x3FB6] =	sst s8  }
0x11: {  	[smem:$0x3FB7] =	sst s9;
	s0 =	simm.s32 @!p0 $0x0  }
0x12: {  	s1 =	sld [smem:$0x3F9D];
	s0 =	simm.s32 @p0 $0x1  }
0x13: {  	[smem:$0x3FB8] =	sst s0;
	s0 =	simm.s32 @!p1 $0x0  }
0x14: {  	s2 =	sld [smem:$0x3F9C];
	s0 =	simm.s32 @p1 $0x1  }
0x15: {  	[smem:$0x3FB9] =	sst s0;
	s0 =	simm.s32 @!p2 $0x0  }
0x16: {  	s3 =	sld [smem:$0x3FDB];
	s0 =	simm.s32 @p2 $0x1  }
0x17: {  	s4 =	simm.s32 $0x1BF5;
	[smem:$0x3FBB] =	sst s0  }
0x18: {  	s0 =	sld [smem:$0x3F9E];
	_ =	swait.ge [sflag:s4], $0x0  }
0x19: {  	s7 =	sld [smem:$0x3F9F]  }
0x1a: {  	s8 =	sadd.s32 $0xFFFFE003, lr  }
0x1b: {  	s9 =	sadd.s32 $0xFFFFFEF7, lr;
	s5 =	simm.s32 $0xFFFFFFFF;
	p2 =	slt.u32 s8, $0xFFFFF086  }
0x1c: {  	p1 =	slt.u32 s9, $0xF7A;
	s5 =	simm.s32 @!p2 $0x0  }
0x1d: {  	s5 =	simm.s32 @p1 $0x1;
	p0 =	seq.s32 s7, s2  }
0x1e: {  	s7 =	smul.u32 @!p0 $0xF7A, s2;
	p2 =	seq.s32 @!p0 s5, $0x0  }
0x1f: {  	s9 =	smul.u32 $0xF7A, s1;
	s8 =	simm.s32 @!p0 $0x1BF5;
	p2 =	por !p2, p0  }
0x20: {  	[sflag:s8] =	ssyncset.s32 @!p0 $0xFFFFF086;
	s6 =	sadd.s32 @!p0 s3, s7;
	s7 =	simm.s32 @!p0 $0x108  }
0x21: {  	s3 =	sadd.s32 s3, s9;
	s6 =	sadd.s32 @!p0 $0x88, s6;
	s7 =	simm.s32 @p2 $0x1082  }
0x22: {  	[simem:s7], [sflag:s8] =	dma.local @!p0 [hbm:s6], $0xF7A  }
0x23: {  	s9 =	sor.u32 $0xD0000000, s2;
	s6 =	simm.s32 $0x108;
	_ =	swait.ge @!p0 [sflag:s8], $0x0  }
0x24: {  	s3 =	sadd.s32 $0x88, s3;
	s6 =	simm.s32 @!p1 $0x1082;
	[sflag:s4] =	ssyncset.s32 $0xFFFFF086  }
0x25: {  	[simem:s6], [sflag:s4] =	dma.local [hbm:s3], $0xF7A  }
0x26: {  	[smem:$0x3F9F] =	sst s1;
	(tag) =	ssettag s2;
	_ =	strace s9  }
0x27: {  	s1 =	sld [smem:$0x3FAF]  }
0x28: {  	s2 =	sld [smem:$0x3FB0]  }
0x29: {  	s4 =	sld [smem:$0x3FB2]  }
0x2a: {  	p0 =	seq.s32 s5, $0x0;
	s5 =	sld [smem:$0x3FB3]  }
0x2b: {  	s6 =	sld [smem:$0x3FB4]  }
0x2c: {  	s7 =	sld [smem:$0x3FB5]  }
0x2d: {  	s3 =	simm.s32 $0x108;
	s8 =	sld [smem:$0x3FB6]  }
0x2e: {  	s3 =	simm.s32 @!p0 $0x1082;
	s9 =	sld [smem:$0x3FB7]  }
0x2f: {  	lr =	sadd.s32 s0, s3;
	s0 =	sld [smem:$0x3FAE]  }
0x30: {  	s3 =	sld [smem:$0x3FB1]  }
0x31: {  	[smem:$0x3FBA] =	sst s10  }
0x32: {  	s10 =	sld [smem:$0x3FB8];
	_ =	sdelay $0x3  }
0x33: {  	p0 =	seq.s32 s10, $0x1;
	s10 =	sld [smem:$0x3FBA];
	_ =	sdelay $0x3  }
0x34: {  	[smem:$0x3FBA] =	sst s10  }
0x35: {  	s10 =	sld [smem:$0x3FB9];
	_ =	sdelay $0x3  }
0x36: {  	p1 =	seq.s32 s10, $0x1;
	s10 =	sld [smem:$0x3FBA];
	_ =	sdelay $0x3  }
0x37: {  	[smem:$0x3FBA] =	sst s10  }
0x38: {  	s10 =	sld [smem:$0x3FBB]  }
0x39: {  	_ = 	snop;
	(pc) =	sbr.ind lr, $3  }
0x3a: {  	_ = 	snop  }
0x3b: {  	_ = 	snop  }
0x3c: {  	p2 =	seq.s32 s10, $0x1;
	s10 =	sld [smem:$0x3FBA]  }
0x3d: {  	_ =	shalt  }
0x3e: {  	_ =	shalt  }
0x3f: {  	_ =	shalt  }
0x40: {  	_ =	shalt  }
0x41: {  	_ =	shalt  }
0x42: {  	_ =	shalt  }
0x43: {  	_ =	shalt  }
0x44: {  	_ =	shalt  }
0x45: {  	_ =	shalt  }
0x46: {  	_ =	shalt  }
0x47: {  	_ =	shalt  }
0x48: {  	_ =	shalt  }
0x49: {  	_ =	shalt  }
0x4a: {  	_ =	shalt  }
0x4b: {  	_ =	shalt  }
0x4c: {  	_ =	shalt  }
0x4d: {  	_ =	shalt  }
0x4e: {  	_ =	shalt  }
0x4f: {  	_ =	shalt  }
0x50: {  	_ =	shalt  }
0x51: {  	_ =	shalt  }
0x52: {  	_ =	shalt  }
0x53: {  	_ =	shalt  }
0x54: {  	_ =	shalt  }
0x55: {  	_ =	shalt  }
0x56: {  	_ =	shalt  }
0x57: {  	_ =	shalt  }
0x58: {  	_ =	shalt  }
0x59: {  	_ =	shalt  }
0x5a: {  	_ =	shalt  }
0x5b: {  	_ =	shalt  }
0x5c: {  	_ =	shalt  }
0x5d: {  	_ =	shalt  }
0x5e: {  	_ =	shalt  }
0x5f: {  	_ =	shalt  }
0x60: {  	_ =	shalt  }
0x61: {  	_ =	shalt  }
0x62: {  	_ =	shalt  }
0x63: {  	_ =	shalt  }
0x64: {  	_ =	shalt  }
0x65: {  	_ =	shalt  }
0x66: {  	_ =	shalt  }
0x67: {  	_ =	shalt  }
0x68: {  	_ =	shalt  }
0x69: {  	_ =	shalt  }
0x6a: {  	_ =	shalt  }
0x6b: {  	_ =	shalt  }
0x6c: {  	_ =	shalt  }
0x6d: {  	_ =	shalt  }
0x6e: {  	_ =	shalt  }
0x6f: {  	_ =	shalt  }
0x70: {  	_ =	shalt  }
0x71: {  	_ =	shalt  }
0x72: {  	_ =	shalt  }
0x73: {  	_ =	shalt  }
0x74: {  	_ =	shalt  }
0x75: {  	_ =	shalt  }
0x76: {  	_ =	shalt  }
0x77: {  	_ =	shalt  }
0x78: {  	_ =	shalt  }
0x79: {  	_ =	shalt  }
0x7a: {  	_ =	shalt  }
0x7b: {  	_ =	shalt  }
0x7c: {  	_ =	shalt  }
0x7d: {  	_ =	shalt  }
0x7e: {  	_ =	shalt  }
0x7f: {  	_ =	shalt  }
0x80: {  	_ =	shalt  }
0x81: {  	_ =	shalt  }
0x82: {  	_ =	shalt  }
0x83: {  	_ =	shalt  }
0x84: {  	_ =	shalt  }
0x85: {  	_ =	shalt  }
0x86: {  	_ =	shalt  }
0x87: {  	_ =	shalt  }
.Lfunc_end0:
.L_simem_size_0:
called_computation.1_lowered:
.L_overlay_start_0:
0x88: {  	s2 =	sld [smem:$0x3FD9]  }
0x89: {  	s3 =	sld [smem:$0x3FFE];
	_ =	sdelay $0x1  }
0x8a: {  	s1 =	srdreg.scid  }
0x8b: {  	s0 =	sand.u32 $0x1, s1  }
0x8c: {  	s17 =	sshll.u32 s0, $0xA;
	s2 =	sadd.s32 s3, s2  }
0x8d: {  	s2 =	sadd.s32 s2, s17  }
0x8e: {  	[smem:$0x3FC6] =	sst s2  }
0x8f: {  	_ = 	snop  }
0x90: {  	s2 =	sld [smem:$0x3FD0];
	(tm) =	ssettm $0x1  }
0x91: {  	s18 =	sld [smem:$0x3FFB];
	_ =	sdelay $0x3  }
0x92: {  	_ =	strace s18  }
0x93: {  	s3 =	sld [smem:$0x3FFC];
	_ =	sdelay $0x3  }
0x94: {  	_ =	strace s3  }
0x95: {  	s3 =	sld [smem:$0x3FFD];
	_ =	sdelay $0x3  }
0x96: {  	_ =	strace s3  }
0x97: {  	_ =	strace $0x8FFFFFFF  }
0x98: {  	s19 =	sld [smem:$0x3FDB];
	_ =	sdelay $0x1  }
0x99: {  	s4 =	simm.s32 $_scs_section_size  }
0x9a: {  	s5 =	simm.s32 $_size__tile_overlayer_lowered;
	s6 =	simm.s32 $_tile_overlayer_lowered  }
0x9b: {  	s22 =	simm.s32 $0x1BFF;
	s21 =	sshll.u32 s6, $0x1;
	s3 =	sadd.s32 s4, s19  }
0x9c: {  	s7 =	simm.s32 $0x0;
	s20 =	sshll.u32 s5, $0x1;
	s5 =	sadd.s32 s21, s3  }
0x9d: {  	[timem:s7], [sflag:s22] =	dma.local [hbm:s5], s20  }
0x9e: {  	_ =	swait.ge [sflag:s22], s20  }
0x9f: {  	s4 =	ssub.s32 $0x0, s20;
	[sflag:s22] =	ssyncset.done $0x0  }
0xa0: {  	[sflag:s22] =	ssyncadd.s32 s4;
	_ =	sdelay $0x1  }
0xa1: {  	s23 =	simm.s32 $0x1B8B  }
0xa2: {  	_ =	swait.ge [sflag:s23], $0x1  }
0xa3: {  	[sflag:s23] =	ssyncset.done $0x0  }
0xa4: {  	s25 =	simm.s32 $0x1B8E;
	s24 =	sld [smem:$0x3FFE];
	[sflag:s23] =	ssyncadd.s32 $0xFFFFFFFF  }
0xa5: {  	s26 =	simm.s32 $execute0_lowered;
	[smem:$0x3FD2] =	sst s25  }
0xa6: {  	s5 =	sshll.u32 s26, $0x1;
	_ =	strace $0x80000046;
	[dreg:$0x1] =	wrdreg $0xFFFFFFFF  }
0xa7: {  	s28 =	simm.s32 $_size_execute0_lowered;
	s3 =	sadd.s32 s3, s5;
	[dreg:$0x0] =	wrdreg $0x0  }
0xa8: {  	s5 =	sshll.u32 s28, $0x1;
	[dreg:$0x2] =	wrdreg s3  }
0xa9: {  	[dreg:$0x3] =	wrdreg s5  }
0xaa: {  	[dreg:$0x4] =	wrdreg $0xC0  }
0xab: {  	_ =	task [dreg:s7], $0x5FFFF  }
0xac: {  	[dreg:$0x1] =	wrdreg $0xFFFFFFFF  }
0xad: {  	[dreg:$0x0] =	wrdreg $0x60  }
0xae: {  	[dreg:$0x2] =	wrdreg s24  }
0xaf: {  	[dreg:$0x3] =	wrdreg s2  }
0xb0: {  	[dreg:$0x4] =	wrdreg $0x9  }
0xb1: {  	_ =	task.clear_ibuf [dreg:s7], $0x5FFFF;
	_ =	strace $0x90000046  }
0xb2: {  	s29 =	simm.s32 $0x9;
	_ =	strace $0x80000048  }
0xb3: {  	_ =	swait.ge [sflag:s29], $0x1  }
0xb4: {  	[sflag:s29] =	ssyncadd.s32 $0xFFFFFFFF  }
0xb5: {  	_ =	strace $0x90000048  }
0xb6: {  	_ =	sfence  }
0xb7: {  	s30 =	sld [smem:$0x0];
	_ =	sdelay $0x2  }
0xb8: {  	s31 =	sshll.u32 s1, $0xD;
	s1 =	sshrl.u32 s1, $0x2  }
0xb9: {  	s3 =	sand.u32 $0x4000, s31;
	s1 =	sadd.s32 s1, s30  }
0xba: {  	s0 =	sor.u32 s3, s0;
	s1 =	sshll.u32 s1, $0x11  }
0xbb: {  	s0 =	sor.u32 s1, s0  }
0xbc: {  	s0 =	sadd.s32 $0x8F2B, s0  }
0xbd: {  	[sflag:s0] =	ssyncadd.remote.s32 $0x1  }
0xbe: {  	_ =	sfence.sel $0xFFFF  }
0xbf: {  	[dreg:$0x0] =	wrdreg $0xFFFFFFFF;
	(pc) =	sbr.abs _section_cstart, $3  }
0xc0: {  	[dreg:$0x1] =	wrdreg $0xFFFFFFFF  }
0xc1: {  	_ =	task.clear_ibuf [dreg:s7], $0x2FFFF;
	_ =	strace $0x9FFFFFFF  }
0xc2: {  	(tm) =	ssettm $0x7FFFFFFF  }
0xc3: {  	_ =	shalt  }
tec
execute0_lowered:
.L_overlay_start_1:
0x0: {  	(tag) =	ssettag $0x1  }
0x1: {  	s0 =	rddreg [dreg:$0x0];
	s1 =	srdreg.scid  }
0x2: {  	s3 =	stileid.u32;
	s2 =	rddreg [dreg:$0x1]  }
0x3: {  	s13 =	simm.s32 $0x3;
	s14 =	simm.s32 $0x80;
	s16 =	simm.s32 $0x48  }
0x4: {  	s18 =	simm.s32 $0x1;
	s19 =	simm.s32 $0xC8;
	s20 =	simm.s32 $0x3390  }
0x5: {  	s21 =	simm.s32 $0x148;
	s22 =	simm.s32 $0x5390;
	s23 =	simm.s32 $0x6590  }
0x6: {  	s24 =	simm.s32 $0x2;
	s25 =	simm.s32 $0x9790;
	s26 =	simm.s32 $0x0  }
0x7: {  	s1 =	sand.u32 $0x1, s1;
	s4 =	sshll.u32 s3, $0x1;
	s3 =	simm.s32 $0x0  }
0x8: {  	s5 =	sadd.s32 $0xC00, s0;
	s6 =	sadd.s32 $0xF43000, s0;
	s9 =	sor.u32 s1, s4  }
0x9: {  	[smem:$0x7FF] =	sst s3;
	s1 =	ssub.s32 $0x2, s1;
	s4 =	smul.u32 $0x6400, s9  }
0xa: {  	s7 =	sadd.s32 $0x19C00, s0;
	_ =	strace $0x80000047;
	s8 =	sshrl.u32 s1, $0x1  }
0xb: {  	s9 =	smul.u32 $0x3200, s9;
	s31 =	ssub.s32 s1, s8;
	s10 =	sshrl.u32 s4, $0x3  }
0xc: {  	s11 =	smax.u32 s31, $0x1;
	s8 =	sadd.s32 s5, s10;
	s10 =	sor.u32 $0x190, s4  }
.LBB2_1:
0xd: {  	s0 =	simm.s32 $0xC990  }
0xe: {  	[tilespmem:s0], [sflag:$0x3] =	stream.linear.gather [hbm4b:s7+s3], $0x3200, $0x38;
	[tilespmem:$0xFB90] =	vst v63  }
0xf: {  	_ =	swait.ge [sflag:s13], $0x3200  }
0x10: {  	[sflag:s13] =	ssyncset.done $0x0  }
0x11: {  	[sflag:s13] =	ssyncadd.s32 $0xFFFFCE00  }
0x12: {  	[tilespmem:s3], [sflag:$0x3] =	stream.linear.gather [hbm4b:s8+s3], $0xC8, $0x38;
	[tilespmem:$0xFB90] =	vst v63  }
0x13: {  	_ =	swait.ge [sflag:s13], $0xC8  }
0x14: {  	[sflag:s13] =	ssyncset.done $0x0  }
0x15: {  	s30 =	simm.s32 $0x190;
	[sflag:s13] =	ssyncadd.s32 $0xFFFFFF38  }
0x16: {  	[tilespmem:s30], [sflag:$0x1] =	stream.indirect.gather [hbm4b:s6+s14], $0x40, s3, s14, $0xb8;
	[tilespmem:$0xFB90] =	vst v63  }
0x17: {  	s31 =	simm.s32 $0x2190;
	s28 =	simm.s32 $0x0  }
0x18: {  	[tilespmem:s31], [sflag:$0x1] =	stream.indirect.gather [hbm4b:s6+s16], $0x40, s14, s16, $0xb8;
	[tilespmem:$0xFB90] =	vst v63  }
.LBB2_2:
0x19: {  	p0 =	seq.s32 s28, $0x0  }
0x1a: {  	s0 =	sshll.u32 s28, $0x1;
	s1 =	simm.s32 @!p0 $0x2  }
0x1b: {  	s29 =	sor.u32 $0x1, s0;
	_ =	swait.ge @!p0 [sflag:s1], $0x3200  }
0x1c: {  	s0 =	smul.u32 $0xC8, s29;
	[sflag:s1] =	ssyncset.done @!p0 $0x0  }
0x1d: {  	[sflag:s1] =	ssyncadd.s32 @!p0 $0xFFFFCE00  }
0x1e: {  	s0 =	sadd.s32 s4, s0;
	_ =	swait.ge [sflag:s18], $0x3200  }
0x1f: {  	s0 =	sshrl.u32 s0, $0x3;
	[sflag:s18] =	ssyncset.done $0x0  }
0x20: {  	s0 =	sadd.s32 s5, s0;
	[sflag:s18] =	ssyncadd.s32 $0xFFFFCE00  }
0x21: {  	[tilespmem:s19], [sflag:$0x3] =	stream.linear.gather [hbm4b:s0+s3], $0xC8, $0x38;
	[tilespmem:$0xFB90] =	vst v63  }
0x22: {  	_ =	swait.ge [sflag:s13], $0xC8  }
0x23: {  	[sflag:s13] =	ssyncset.done $0x0  }
0x24: {  	[sflag:s13] =	ssyncadd.s32 $0xFFFFFF38  }
0x25: {  	[tilespmem:s20], [sflag:$0x1] =	stream.indirect.gather [hbm4b:s6+s14], $0x40, s19, s14, $0xb8;
	[tilespmem:$0xFB90] =	vst v63  }
0x26: {  	s15 =	simm.s32 $0x290  }
0x27: {  	[tilespmem:s22], [sflag:$0x1] =	stream.indirect.gather [hbm4b:s6+s16], $0x40, s21, s16, $0xb8;
	[tilespmem:$0xFB90] =	vst v63  }
0x28: {  	v0 =	vld [tilespmem:s15+$0x80]  }
0x29: {  	s12 =	simm.s32 $0xCA90  }
0x2a: {  	v1 =	vld [tilespmem:s12+$0x80]  }
0x2b: {  	v2 =	vld [tilespmem:s15+$0xFFFFFF80]  }
0x2c: {  	v3 =	vld [tilespmem:s15+$0xFFFFFF00]  }
0x2d: {  	v4 =	vld [tilespmem:s15+$0x0];
	v0 =	vmul.f32 $8.000000000e+00, v0  }
0x2e: {  	v5 =	vld [tilespmem:s12+$0xFFFFFF00]  }
0x2f: {  	v6 =	vld [tilespmem:s12+$0xFFFFFF80];
	v0 =	vadd.f32 v1, v0  }
0x30: {  	s30 =	simm.s32 $0x6690  }
0x31: {  	v1 =	vmul.f32 $8.000000000e+00, v3;
	v3 =	vld [tilespmem:s12+$0x0];
	[tilespmem:s30+$0x80] =	vst v0  }
0x32: {  	v0 =	vmul.f32 $8.000000000e+00, v2;
	v2 =	vld [tilespmem:s15+$0x90]  }
0x33: {  	v1 =	vadd.f32 v5, v1  }
0x34: {  	v4 =	vmul.f32 $8.000000000e+00, v4;
	v5 =	vld [tilespmem:s12+$0x90];
	v0 =	vadd.f32 v6, v0  }
0x35: {  	[tilespmem:s30+$0xFFFFFF00] =	vst v1  }
0x36: {  	v1 =	vld [tilespmem:s15+$0xFFFFFF10];
	[tilespmem:s30+$0xFFFFFF80] =	vst v0;
	v0 =	vadd.f32 v3, v4  }
0x37: {  	v4 =	vld [tilespmem:s12+$0xFFFFFF10];
	v2 =	vmul.f32 $8.000000000e+00, v2  }
0x38: {  	v3 =	vld [tilespmem:s15+$0xFFFFFF90];
	[tilespmem:s30+$0x0] =	vst v0  }
0x39: {  	v0 =	vld [tilespmem:s15+$0x10];
	v2 =	vadd.f32 v5, v2  }
0x3a: {  	v5 =	vld [tilespmem:s12+$0xFFFFFF90]  }
0x3b: {  	v6 =	vld [tilespmem:s12+$0x10];
	v1 =	vmul.f32 $8.000000000e+00, v1;
	[tilespmem:s30+$0x90] =	vst v2  }
0x3c: {  	v2 =	vld [tilespmem:s15+$0xA0]  }
0x3d: {  	v3 =	vmul.f32 $8.000000000e+00, v3;
	v1 =	vadd.f32 v4, v1  }
0x3e: {  	v4 =	vld [tilespmem:s12+$0xA0]  }
0x3f: {  	v0 =	vmul.f32 $8.000000000e+00, v0;
	[tilespmem:s30+$0xFFFFFF10] =	vst v1;
	v1 =	vadd.f32 v5, v3;
	_ =	sdelay $0x1  }
0x40: {  	v3 =	vld [tilespmem:s15+$0xFFFFFF20];
	v0 =	vadd.f32 v6, v0;
	[tilespmem:s30+$0xFFFFFF90] =	vst v1;
	v1 =	vmul.f32 $8.000000000e+00, v2  }
0x41: {  	v5 =	vld [tilespmem:s12+$0xFFFFFF20]  }
0x42: {  	v2 =	vld [tilespmem:s15+$0xFFFFFFA0];
	[tilespmem:s30+$0x10] =	vst v0;
	v1 =	vadd.f32 v4, v1  }
0x43: {  	v0 =	vld [tilespmem:s15+$0x20]  }
0x44: {  	v6 =	vld [tilespmem:s12+$0x20];
	[tilespmem:s30+$0xA0] =	vst v1  }
0x45: {  	v3 =	vmul.f32 $8.000000000e+00, v3;
	v1 =	vld [tilespmem:s15+$0xB0]  }
0x46: {  	v4 =	vld [tilespmem:s12+$0xFFFFFFA0]  }
0x47: {  	v3 =	vadd.f32 v5, v3;
	v5 =	vld [tilespmem:s12+$0xB0]  }
0x48: {  	v0 =	vmul.f32 $8.000000000e+00, v0  }
0x49: {  	[tilespmem:s30+$0xFFFFFF20] =	vst v3  }
0x4a: {  	v2 =	vmul.f32 $8.000000000e+00, v2;
	v3 =	vld [tilespmem:s15+$0xFFFFFF30];
	v0 =	vadd.f32 v6, v0;
	v1 =	vmul.f32 $8.000000000e+00, v1;
	_ =	sdelay $0x1  }
0x4b: {  	v2 =	vadd.f32 v4, v2;
	v4 =	vld [tilespmem:s12+$0xFFFFFF30];
	[tilespmem:s30+$0x20] =	vst v0;
	v1 =	vadd.f32 v5, v1  }
0x4c: {  	v0 =	vld [tilespmem:s15+$0x30]  }
0x4d: {  	v6 =	vld [tilespmem:s12+$0x30];
	[tilespmem:s30+$0xB0] =	vst v1  }
0x4e: {  	[tilespmem:s30+$0xFFFFFFA0] =	vst v2;
	v1 =	vmul.f32 $8.000000000e+00, v3;
	v3 =	vld [tilespmem:s15+$0xC0]  }
0x4f: {  	v2 =	vld [tilespmem:s15+$0xFFFFFFB0]  }
0x50: {  	v1 =	vadd.f32 v4, v1;
	v4 =	vld [tilespmem:s12+$0xC0]  }
0x51: {  	v5 =	vld [tilespmem:s12+$0xFFFFFFB0];
	v0 =	vmul.f32 $8.000000000e+00, v0;
	_ =	sdelay $0x1  }
0x52: {  	v0 =	vadd.f32 v6, v0;
	v3 =	vmul.f32 $8.000000000e+00, v3  }
0x53: {  	s1 =	simm.s32 $0x490;
	v2 =	vmul.f32 $8.000000000e+00, v2;
	[tilespmem:s30+$0xFFFFFF30] =	vst v1  }
0x54: {  	v8 =	vld [tilespmem:s1+$0x80];
	[tilespmem:s30+$0x30] =	vst v0;
	v0 =	vadd.f32 v4, v3  }
0x55: {  	v1 =	vadd.f32 v5, v2;
	v2 =	vld [tilespmem:s15+$0xFFFFFF40]  }
0x56: {  	v5 =	vld [tilespmem:s12+$0xFFFFFF40];
	[tilespmem:s30+$0xC0] =	vst v0  }
0x57: {  	[tilespmem:s30+$0xFFFFFFB0] =	vst v1;
	v0 =	vld [tilespmem:s15+$0xD0]  }
0x58: {  	v1 =	vld [tilespmem:s15+$0xFFFFFFC0]  }
0x59: {  	v7 =	vld [tilespmem:s12+$0xD0]  }
0x5a: {  	v4 =	vld [tilespmem:s12+$0xFFFFFFC0];
	v2 =	vmul.f32 $8.000000000e+00, v2  }
0x5b: {  	v9 =	vld [tilespmem:s1+$0xFFFFFF80]  }
0x5c: {  	s0 =	simm.s32 $0xCC90;
	v3 =	vld [tilespmem:s15+$0x40];
	v2 =	vadd.f32 v5, v2;
	v0 =	vmul.f32 $8.000000000e+00, v0  }
0x5d: {  	v10 =	vld [tilespmem:s0+$0x80];
	v1 =	vmul.f32 $8.000000000e+00, v1  }
0x5e: {  	v6 =	vld [tilespmem:s12+$0x40];
	[tilespmem:s30+$0xFFFFFF40] =	vst v2;
	v0 =	vadd.f32 v7, v0  }
0x5f: {  	v1 =	vadd.f32 v4, v1;
	v2 =	vld [tilespmem:s15+$0xFFFFFF50]  }
0x60: {  	v4 =	vld [tilespmem:s12+$0xFFFFFF50];
	[tilespmem:s30+$0xD0] =	vst v0  }
0x61: {  	v3 =	vmul.f32 $8.000000000e+00, v3;
	[tilespmem:s30+$0xFFFFFFC0] =	vst v1;
	v0 =	vld [tilespmem:s15+$0xE0]  }
0x62: {  	v1 =	vld [tilespmem:s15+$0xFFFFFFD0]  }
0x63: {  	v3 =	vadd.f32 v6, v3;
	v6 =	vld [tilespmem:s12+$0xE0]  }
0x64: {  	v11 =	vld [tilespmem:s1+$0x0]  }
0x65: {  	v5 =	vld [tilespmem:s12+$0xFFFFFFD0]  }
0x66: {  	v12 =	vld [tilespmem:s0+$0xFFFFFF00];
	v2 =	vmul.f32 $8.000000000e+00, v2;
	v0 =	vmul.f32 $8.000000000e+00, v0  }
0x67: {  	v13 =	vld [tilespmem:s0+$0xFFFFFF80];
	v8 =	vmul.f32 $8.000000000e+00, v8  }
0x68: {  	[tilespmem:s30+$0x40] =	vst v3;
	v2 =	vadd.f32 v4, v2;
	v4 =	vmul.f32 $8.000000000e+00, v1;
	v0 =	vadd.f32 v6, v0;
	v6 =	vld [tilespmem:s1+$0xFFFFFF00]  }
0x69: {  	v8 =	vadd.f32 v10, v8;
	v3 =	vld [tilespmem:s15+$0x50]  }
0x6a: {  	s31 =	simm.s32 $0x6890;
	v10 =	vld [tilespmem:s0+$0x0];
	[tilespmem:s30+$0xFFFFFF50] =	vst v2;
	v2 =	vadd.f32 v5, v4;
	v4 =	vmul.f32 $8.000000000e+00, v9  }
0x6b: {  	[tilespmem:s31+$0x80] =	vst v8;
	v7 =	vld [tilespmem:s12+$0x50]  }
0x6c: {  	v5 =	vld [tilespmem:s1+$0x90];
	v4 =	vadd.f32 v13, v4  }
0x6d: {  	v9 =	vld [tilespmem:s0+$0x90];
	v6 =	vmul.f32 $8.000000000e+00, v6  }
0x6e: {  	v3 =	vmul.f32 $8.000000000e+00, v3;
	v8 =	vld [tilespmem:s15+$0xFFFFFF60];
	[tilespmem:s31+$0xFFFFFF80] =	vst v4  }
0x6f: {  	[tilespmem:s30+$0xFFFFFFD0] =	vst v2;
	v4 =	vld [tilespmem:s1+$0xFFFFFF90];
	v6 =	vadd.f32 v12, v6  }
0x70: {  	v3 =	vadd.f32 v7, v3;
	v2 =	vmul.f32 $8.000000000e+00, v11;
	v7 =	vld [tilespmem:s0+$0xFFFFFF90];
	[tilespmem:s30+$0xE0] =	vst v0  }
0x71: {  	v5 =	vmul.f32 $8.000000000e+00, v5;
	v0 =	vld [tilespmem:s15+$0xF0];
	[tilespmem:s31+$0xFFFFFF00] =	vst v6  }
0x72: {  	v2 =	vadd.f32 v10, v2;
	v11 =	vld [tilespmem:s1+$0xFFFFFF10]  }
0x73: {  	v1 =	vld [tilespmem:s12+$0xF0];
	v5 =	vadd.f32 v9, v5  }
0x74: {  	[tilespmem:s31+$0x0] =	vst v2;
	v4 =	vmul.f32 $8.000000000e+00, v4;
	v10 =	vld [tilespmem:s0+$0xFFFFFF10]  }
0x75: {  	v2 =	vld [tilespmem:s1+$0x10];
	[tilespmem:s31+$0x90] =	vst v5  }
0x76: {  	[tilespmem:s30+$0x50] =	vst v3;
	v3 =	vld [tilespmem:s1+$0xA0];
	v4 =	vadd.f32 v7, v4  }
0x77: {  	v9 =	vmul.f32 $8.000000000e+00, v11;
	v11 =	vld [tilespmem:s0+$0x10]  }
0x78: {  	v6 =	vld [tilespmem:s15+$0xFFFFFFE0];
	[tilespmem:s31+$0xFFFFFF90] =	vst v4  }
0x79: {  	v4 =	vld [tilespmem:s1+$0xFFFFFFA0];
	v5 =	vadd.f32 v10, v9  }
0x7a: {  	v2 =	vmul.f32 $8.000000000e+00, v2;
	v10 =	vld [tilespmem:s0+$0xA0]  }
0x7b: {  	v9 =	vld [tilespmem:s15+$0x60];
	[tilespmem:s31+$0xFFFFFF10] =	vst v5  }
0x7c: {  	v7 =	vld [tilespmem:s1+$0xFFFFFF20];
	v2 =	vadd.f32 v11, v2  }
0x7d: {  	v3 =	vmul.f32 $8.000000000e+00, v3;
	v5 =	vld [tilespmem:s12+$0xFFFFFF60]  }
0x7e: {  	v11 =	vld [tilespmem:s0+$0xFFFFFF20];
	[tilespmem:s31+$0x10] =	vst v2  }
0x7f: {  	v3 =	vadd.f32 v10, v3;
	v2 =	vld [tilespmem:s1+$0x20]  }
0x80: {  	v10 =	vld [tilespmem:s0+$0xFFFFFFA0]  }
0x81: {  	v60 =	vld [tilespmem:s0+$0x20];
	[tilespmem:s31+$0xA0] =	vst v3;
	v7 =	vmul.f32 $8.000000000e+00, v7  }
0x82: {  	v3 =	vld [tilespmem:s1+$0xB0]  }
0x83: {  	v4 =	vmul.f32 $8.000000000e+00, v4;
	v61 =	vld [tilespmem:s0+$0xB0];
	v7 =	vadd.f32 v11, v7  }
0x84: {  	v11 =	vld [tilespmem:s12+$0xFFFFFFE0];
	v2 =	vmul.f32 $8.000000000e+00, v2  }
0x85: {  	v4 =	vadd.f32 v10, v4;
	[tilespmem:s31+$0xFFFFFF20] =	vst v7;
	v7 =	vld [tilespmem:s12+$0x60]  }
0x86: {  	v2 =	vadd.f32 v60, v2;
	v10 =	vld [tilespmem:s1+$0xFFFFFF30]  }
0x87: {  	[tilespmem:s31+$0xFFFFFFA0] =	vst v4;
	v4 =	vld [tilespmem:s0+$0xFFFFFF30];
	v3 =	vmul.f32 $8.000000000e+00, v3  }
0x88: {  	v8 =	vmul.f32 $8.000000000e+00, v8;
	[tilespmem:s31+$0x20] =	vst v2;
	v2 =	vld [tilespmem:s1+$0xFFFFFFB0]  }
0x89: {  	v3 =	vadd.f32 v61, v3;
	v62 =	vld [tilespmem:s1+$0x30]  }
0x8a: {  	v6 =	vmul.f32 $8.000000000e+00, v6;
	v5 =	vadd.f32 v5, v8;
	v8 =	vld [tilespmem:s0+$0xFFFFFFB0]  }
0x8b: {  	[tilespmem:s31+$0xB0] =	vst v3;
	v3 =	vld [tilespmem:s0+$0x30];
	v10 =	vmul.f32 $8.000000000e+00, v10  }
0x8c: {  	[tilespmem:s30+$0xFFFFFF60] =	vst v5;
	v5 =	vadd.f32 v11, v6;
	v6 =	vld [tilespmem:s1+$0xC0]  }
0x8d: {  	v11 =	vld [tilespmem:s0+$0xC0];
	v4 =	vadd.f32 v4, v10;
	v2 =	vmul.f32 $8.000000000e+00, v2  }
0x8e: {  	[tilespmem:s30+$0xFFFFFFE0] =	vst v5;
	v10 =	vld [tilespmem:s15+$0xFFFFFF70];
	v5 =	vmul.f32 $8.000000000e+00, v62  }
0x8f: {  	[tilespmem:s31+$0xFFFFFF30] =	vst v4;
	v2 =	vadd.f32 v8, v2;
	v8 =	vld [tilespmem:s15+$0xFFFFFFF0]  }
0x90: {  	v4 =	vld [tilespmem:s1+$0xFFFFFF40];
	v3 =	vadd.f32 v3, v5  }
0x91: {  	v5 =	vld [tilespmem:s0+$0xFFFFFF40];
	[tilespmem:s31+$0xFFFFFFB0] =	vst v2;
	v2 =	vmul.f32 $8.000000000e+00, v6  }
0x92: {  	v6 =	vmul.f32 $8.000000000e+00, v9;
	v9 =	vld [tilespmem:s1+$0xFFFFFFC0];
	[tilespmem:s31+$0x30] =	vst v3  }
0x93: {  	v3 =	vld [tilespmem:s1+$0x40];
	v2 =	vadd.f32 v11, v2  }
0x94: {  	v6 =	vadd.f32 v7, v6;
	v7 =	vld [tilespmem:s0+$0xFFFFFFC0]  }
0x95: {  	v11 =	vld [tilespmem:s0+$0x40];
	v4 =	vmul.f32 $8.000000000e+00, v4;
	[tilespmem:s31+$0xC0] =	vst v2  }
0x96: {  	v2 =	vld [tilespmem:s1+$0xD0]  }
0x97: {  	[tilespmem:s30+$0x60] =	vst v6;
	v6 =	vld [tilespmem:s0+$0xD0];
	v4 =	vadd.f32 v5, v4;
	v5 =	vmul.f32 $8.000000000e+00, v9  }
0x98: {  	v9 =	vld [tilespmem:s15+$0x70];
	v3 =	vmul.f32 $8.000000000e+00, v3  }
0x99: {  	[tilespmem:s31+$0xFFFFFF40] =	vst v4;
	v4 =	vadd.f32 v7, v5;
	v5 =	vld [tilespmem:s12+$0xFFFFFF70]  }
0x9a: {  	v7 =	vld [tilespmem:s1+$0xFFFFFF50];
	v3 =	vadd.f32 v11, v3  }
0x9b: {  	v11 =	vld [tilespmem:s0+$0xFFFFFF50];
	[tilespmem:s31+$0xFFFFFFC0] =	vst v4;
	v2 =	vmul.f32 $8.000000000e+00, v2  }
0x9c: {  	v63 =	vld [tilespmem:s1+$0xFFFFFFD0];
	[tilespmem:s31+$0x40] =	vst v3  }
0x9d: {  	v0 =	vmul.f32 $8.000000000e+00, v0;
	v3 =	vld [tilespmem:s1+$0x50];
	v2 =	vadd.f32 v6, v2  }
0x9e: {  	v4 =	vmul.f32 $8.000000000e+00, v10;
	v10 =	vld [tilespmem:s0+$0xFFFFFFD0]  }
0x9f: {  	v0 =	vadd.f32 v1, v0;
	v6 =	vld [tilespmem:s0+$0x50];
	v1 =	vmul.f32 $8.000000000e+00, v7;
	[tilespmem:s31+$0xD0] =	vst v2  }
0xa0: {  	v5 =	vadd.f32 v5, v4;
	v4 =	vld [tilespmem:s1+$0xE0]  }
0xa1: {  	[tilespmem:s30+$0xF0] =	vst v0;
	v2 =	vld [tilespmem:s12+$0xFFFFFFF0];
	v11 =	vadd.f32 v11, v1;
	v12 =	vmul.f32 $8.000000000e+00, v63  }
0xa2: {  	[tilespmem:s30+$0xFFFFFF70] =	vst v5;
	v5 =	vld [tilespmem:s0+$0xE0];
	v7 =	vmul.f32 $8.000000000e+00, v3  }
0xa3: {  	s17 =	simm.s32 $0x690;
	v0 =	vmul.f32 $8.000000000e+00, v8;
	s15 =	simm.s32 $0x4;
	v1 =	vmul.f32 $8.000000000e+00, v9;
	v3 =	vld [tilespmem:s12+$0x70];
	s12 =	simm.s32 $0xCC90;
	[tilespmem:s31+$0xFFFFFF50] =	vst v11;
	v8 =	vadd.f32 v10, v12  }
.LBB2_3:
0xa4: {  	v9 =	vld [tilespmem:s17+$0x80];
	s15 =	sadd.s32 $0x4, s15;
	v6 =	vadd.f32 v6, v7  }
0xa5: {  	s0 =	sadd.s32 $0x200, s0;
	v7 =	vld [tilespmem:s17+$0xFFFFFF80];
	p0 =	slt.u32 s15, $0x60;
	[tilespmem:s31+$0xFFFFFFD0] =	vst v8;
	v4 =	vmul.f32 $8.000000000e+00, v4  }
0xa6: {  	v8 =	vld [tilespmem:s0+$0x80];
	[tilespmem:s31+$0x50] =	vst v6;
	v0 =	vadd.f32 v2, v0  }
0xa7: {  	v2 =	vld [tilespmem:s17+$0x0];
	v4 =	vadd.f32 v5, v4  }
0xa8: {  	v5 =	vld [tilespmem:s17+$0xFFFFFF00];
	[tilespmem:s30+$0xFFFFFFF0] =	vst v0;
	v0 =	vadd.f32 v3, v1  }
0xa9: {  	v1 =	vld [tilespmem:s0+$0xFFFFFF00];
	v3 =	vmul.f32 $8.000000000e+00, v9;
	[tilespmem:s31+$0xE0] =	vst v4  }
0xaa: {  	v4 =	vmul.f32 $8.000000000e+00, v7;
	v6 =	vld [tilespmem:s1+$0xF0];
	[tilespmem:s30+$0x70] =	vst v0;
	s30 =	smov.u32 s31  }
0xab: {  	v0 =	vld [tilespmem:s0+$0xFFFFFF80];
	v3 =	vadd.f32 v8, v3  }
0xac: {  	s31 =	sadd.s32 $0x200, s31;
	v2 =	vmul.f32 $8.000000000e+00, v2;
	v7 =	vld [tilespmem:s12+$0xF0]  }
0xad: {  	v5 =	vmul.f32 $8.000000000e+00, v5;
	v8 =	vld [tilespmem:s0+$0x0];
	[tilespmem:s31+$0x80] =	vst v3  }
0xae: {  	v3 =	vld [tilespmem:s17+$0x90]  }
0xaf: {  	v1 =	vadd.f32 v1, v5;
	v5 =	vld [tilespmem:s1+$0xFFFFFF60];
	v6 =	vmul.f32 $8.000000000e+00, v6  }
0xb0: {  	v0 =	vadd.f32 v0, v4;
	v4 =	vld [tilespmem:s0+$0x90]  }
0xb1: {  	[tilespmem:s31+$0xFFFFFF00] =	vst v1;
	v1 =	vld [tilespmem:s1+$0xFFFFFFE0];
	v6 =	vadd.f32 v7, v6  }
0xb2: {  	v7 =	vld [tilespmem:s17+$0xFFFFFF10];
	[tilespmem:s31+$0xFFFFFF80] =	vst v0;
	v0 =	vadd.f32 v8, v2  }
0xb3: {  	v2 =	vld [tilespmem:s17+$0xFFFFFF90];
	v3 =	vmul.f32 $8.000000000e+00, v3;
	[tilespmem:s30+$0xF0] =	vst v6  }
0xb4: {  	v6 =	vld [tilespmem:s0+$0xFFFFFF10];
	[tilespmem:s31+$0x0] =	vst v0;
	v0 =	vmul.f32 $8.000000000e+00, v5  }
0xb5: {  	v5 =	vld [tilespmem:s17+$0x10];
	v3 =	vadd.f32 v4, v3  }
0xb6: {  	v4 =	vld [tilespmem:s0+$0xFFFFFF90];
	v1 =	vmul.f32 $8.000000000e+00, v1  }
0xb7: {  	v7 =	vmul.f32 $8.000000000e+00, v7;
	v8 =	vld [tilespmem:s0+$0x10];
	[tilespmem:s31+$0x90] =	vst v3  }
0xb8: {  	v2 =	vmul.f32 $8.000000000e+00, v2;
	v3 =	vld [tilespmem:s17+$0xA0]  }
0xb9: {  	v6 =	vadd.f32 v6, v7;
	v7 =	vld [tilespmem:s1+$0x60]  }
0xba: {  	v5 =	vmul.f32 $8.000000000e+00, v5;
	v9 =	vld [tilespmem:s0+$0xA0]  }
0xbb: {  	[tilespmem:s31+$0xFFFFFF10] =	vst v6;
	v2 =	vadd.f32 v4, v2;
	v4 =	vld [tilespmem:s12+$0xFFFFFF60]  }
0xbc: {  	v6 =	vld [tilespmem:s17+$0xFFFFFF20];
	v5 =	vadd.f32 v8, v5  }
0xbd: {  	v8 =	vld [tilespmem:s0+$0xFFFFFF20];
	[tilespmem:s31+$0xFFFFFF90] =	vst v2;
	v2 =	vmul.f32 $8.000000000e+00, v3  }
0xbe: {  	v3 =	vld [tilespmem:s17+$0xFFFFFFA0];
	[tilespmem:s31+$0x10] =	vst v5;
	v5 =	vmul.f32 $8.000000000e+00, v7  }
0xbf: {  	v7 =	vld [tilespmem:s17+$0x20];
	v2 =	vadd.f32 v9, v2  }
0xc0: {  	v9 =	vld [tilespmem:s0+$0xFFFFFFA0];
	v0 =	vadd.f32 v4, v0  }
0xc1: {  	v4 =	vmul.f32 $8.000000000e+00, v6;
	v6 =	vld [tilespmem:s0+$0x20];
	[tilespmem:s31+$0xA0] =	vst v2  }
0xc2: {  	v2 =	vld [tilespmem:s17+$0xB0];
	[tilespmem:s30+$0xFFFFFF60] =	vst v0  }
0xc3: {  	v0 =	vadd.f32 v8, v4;
	v3 =	vmul.f32 $8.000000000e+00, v3;
	v4 =	vld [tilespmem:s12+$0xFFFFFFE0]  }
0xc4: {  	v7 =	vmul.f32 $8.000000000e+00, v7;
	v8 =	vld [tilespmem:s0+$0xB0]  }
0xc5: {  	[tilespmem:s31+$0xFFFFFF20] =	vst v0;
	v0 =	vadd.f32 v9, v3;
	v3 =	vld [tilespmem:s12+$0x60]  }
0xc6: {  	v9 =	vld [tilespmem:s17+$0xFFFFFF30];
	v6 =	vadd.f32 v6, v7  }
0xc7: {  	v7 =	vld [tilespmem:s0+$0xFFFFFF30];
	[tilespmem:s31+$0xFFFFFFA0] =	vst v0;
	v0 =	vmul.f32 $8.000000000e+00, v2  }
0xc8: {  	v2 =	vld [tilespmem:s17+$0xFFFFFFB0];
	[tilespmem:s31+$0x20] =	vst v6;
	v1 =	vadd.f32 v4, v1  }
0xc9: {  	v4 =	vld [tilespmem:s17+$0x30];
	v0 =	vadd.f32 v8, v0  }
0xca: {  	v6 =	vld [tilespmem:s0+$0xFFFFFFB0];
	[tilespmem:s30+$0xFFFFFFE0] =	vst v1;
	v1 =	vadd.f32 v3, v5  }
0xcb: {  	v3 =	vmul.f32 $8.000000000e+00, v9;
	v5 =	vld [tilespmem:s0+$0x30];
	[tilespmem:s31+$0xB0] =	vst v0  }
0xcc: {  	v0 =	vld [tilespmem:s17+$0xC0];
	[tilespmem:s30+$0x60] =	vst v1  }
0xcd: {  	v1 =	vadd.f32 v7, v3;
	v2 =	vmul.f32 $8.000000000e+00, v2;
	v3 =	vld [tilespmem:s1+$0xFFFFFF70]  }
0xce: {  	v4 =	vmul.f32 $8.000000000e+00, v4;
	v7 =	vld [tilespmem:s0+$0xC0]  }
0xcf: {  	[tilespmem:s31+$0xFFFFFF30] =	vst v1;
	v1 =	vadd.f32 v6, v2;
	v2 =	vld [tilespmem:s1+$0xFFFFFFF0]  }
0xd0: {  	v6 =	vld [tilespmem:s17+$0xFFFFFF40];
	v4 =	vadd.f32 v5, v4  }
0xd1: {  	v5 =	vld [tilespmem:s0+$0xFFFFFF40];
	[tilespmem:s31+$0xFFFFFFB0] =	vst v1;
	v0 =	vmul.f32 $8.000000000e+00, v0  }
0xd2: {  	v1 =	vld [tilespmem:s17+$0xFFFFFFC0];
	[tilespmem:s31+$0x30] =	vst v4;
	v3 =	vmul.f32 $8.000000000e+00, v3  }
0xd3: {  	v4 =	vld [tilespmem:s17+$0x40];
	v7 =	vadd.f32 v7, v0  }
0xd4: {  	v8 =	vld [tilespmem:s0+$0xFFFFFFC0];
	v0 =	vmul.f32 $8.000000000e+00, v2  }
0xd5: {  	v2 =	vmul.f32 $8.000000000e+00, v6;
	v6 =	vld [tilespmem:s0+$0x40];
	[tilespmem:s31+$0xC0] =	vst v7  }
0xd6: {  	v7 =	vld [tilespmem:s17+$0xD0]  }
0xd7: {  	v2 =	vadd.f32 v5, v2;
	v1 =	vmul.f32 $8.000000000e+00, v1;
	v5 =	vld [tilespmem:s1+$0x70];
	s1 =	smov.u32 s17  }
0xd8: {  	v4 =	vmul.f32 $8.000000000e+00, v4;
	v9 =	vld [tilespmem:s0+$0xD0]  }
0xd9: {  	[tilespmem:s31+$0xFFFFFF40] =	vst v2;
	v1 =	vadd.f32 v8, v1;
	v2 =	vld [tilespmem:s12+$0xFFFFFF70]  }
0xda: {  	v8 =	vld [tilespmem:s17+$0xFFFFFF50];
	v4 =	vadd.f32 v6, v4  }
0xdb: {  	v10 =	vld [tilespmem:s0+$0xFFFFFF50];
	[tilespmem:s31+$0xFFFFFFC0] =	vst v1;
	v6 =	vmul.f32 $8.000000000e+00, v7  }
0xdc: {  	v7 =	vld [tilespmem:s17+$0xFFFFFFD0];
	[tilespmem:s31+$0x40] =	vst v4;
	v1 =	vmul.f32 $8.000000000e+00, v5  }
0xdd: {  	v5 =	vld [tilespmem:s17+$0x50];
	v4 =	vadd.f32 v9, v6  }
0xde: {  	v9 =	vld [tilespmem:s0+$0xFFFFFFD0];
	v2 =	vadd.f32 v2, v3  }
.Ltmp0:
0xdf: {  	v3 =	vmul.f32 $8.000000000e+00, v8;
	v6 =	vld [tilespmem:s0+$0x50];
	[tilespmem:s31+$0xD0] =	vst v4;
	(pc) =	sbr.rel @p0 .LBB2_3-.Ltmp0, $4  }
0xe0: {  	v4 =	vld [tilespmem:s17+$0xE0];
	[tilespmem:s30+$0xFFFFFF70] =	vst v2  }
0xe1: {  	v3 =	vadd.f32 v10, v3;
	v8 =	vmul.f32 $8.000000000e+00, v7;
	v2 =	vld [tilespmem:s12+$0xFFFFFFF0]  }
0xe2: {  	v7 =	vmul.f32 $8.000000000e+00, v5;
	v5 =	vld [tilespmem:s0+$0xE0]  }
0xe3: {  	s17 =	sadd.s32 $0x200, s17;
	[tilespmem:s31+$0xFFFFFF50] =	vst v3;
	v8 =	vadd.f32 v9, v8;
	v3 =	vld [tilespmem:s12+$0x70];
	s12 =	smov.u32 s0  }
0xe4: {  	v6 =	vadd.f32 v6, v7;
	v7 =	vld [tilespmem:s1+$0xFFFFFF60]  }
0xe5: {  	v9 =	vld [tilespmem:s12+$0xFFFFFF60];
	[tilespmem:s31+$0xFFFFFFD0] =	vst v8  }
0xe6: {  	[tilespmem:s31+$0x50] =	vst v6;
	v6 =	vld [tilespmem:s1+$0xFFFFFFE0]  }
0xe7: {  	v4 =	vmul.f32 $8.000000000e+00, v4;
	v8 =	vld [tilespmem:s1+$0x60]  }
0xe8: {  	v10 =	vld [tilespmem:s12+$0xFFFFFFE0]  }
0xe9: {  	v11 =	vld [tilespmem:s12+$0x60];
	v4 =	vadd.f32 v5, v4;
	v5 =	vmul.f32 $8.000000000e+00, v7;
	_ =	sdelay $0x1  }
0xea: {  	[tilespmem:s31+$0xE0] =	vst v4;
	v6 =	vmul.f32 $8.000000000e+00, v6;
	v5 =	vadd.f32 v9, v5  }
0xeb: {  	v7 =	vld [tilespmem:s1+$0xF0];
	v4 =	vmul.f32 $8.000000000e+00, v8  }
0xec: {  	v8 =	vld [tilespmem:s12+$0xF0];
	v6 =	vadd.f32 v10, v6;
	[tilespmem:s31+$0xFFFFFF60] =	vst v5  }
0xed: {  	v4 =	vadd.f32 v11, v4;
	v5 =	vld [tilespmem:s1+$0xFFFFFF70]  }
0xee: {  	v9 =	vld [tilespmem:s12+$0xFFFFFF70];
	[tilespmem:s31+$0xFFFFFFE0] =	vst v6  }
0xef: {  	[tilespmem:s31+$0x60] =	vst v4;
	v4 =	vld [tilespmem:s1+$0xFFFFFFF0]  }
0xf0: {  	v6 =	vld [tilespmem:s1+$0x70]  }
0xf1: {  	v10 =	vld [tilespmem:s12+$0xFFFFFFF0]  }
0xf2: {  	v0 =	vadd.f32 v2, v0;
	v2 =	vmul.f32 $8.000000000e+00, v7;
	v7 =	vld [tilespmem:s12+$0x70]  }
0xf3: {  	v1 =	vadd.f32 v3, v1;
	v3 =	vmul.f32 $8.000000000e+00, v5  }
0xf4: {  	[tilespmem:s30+$0xFFFFFFF0] =	vst v0;
	v0 =	vadd.f32 v8, v2;
	v2 =	vmul.f32 $8.000000000e+00, v4  }
0xf5: {  	s0 =	smul.u32 $0xC8, s28;
	[tilespmem:s30+$0x70] =	vst v1;
	v3 =	vadd.f32 v9, v3;
	v1 =	vmul.f32 $8.000000000e+00, v6  }
0xf6: {  	[tilespmem:s31+$0xF0] =	vst v0;
	v0 =	vadd.f32 v10, v2  }
0xf7: {  	s0 =	sadd.s32 s9, s0;
	[tilespmem:s31+$0xFFFFFF70] =	vst v3;
	v1 =	vadd.f32 v7, v1  }
0xf8: {  	s0 =	sshll.u32 s0, $0x4;
	[tilespmem:s31+$0xFFFFFFF0] =	vst v0  }
0xf9: {  	s0 =	sadd.s32 s2, s0;
	[tilespmem:s31+$0x70] =	vst v1  }
0xfa: {  	[hbm4b:s0+s3] =	stream.linear.scatter [tilespmem:s23], [sflag:$0x2], $0x3200, $0x38;
	[tilespmem:$0xFB90] =	vst v63  }
0xfb: {  	p0 =	seq.s32 s28, $0x3F;
	_ =	swait.ge [sflag:s24], $0x3200  }
0xfc: {  	s0 =	smul.u32 @!p0 $0x190, s28;
	[sflag:s24] =	ssyncset.done $0x0  }
0xfd: {  	[sflag:s24] =	ssyncadd.s32 $0xFFFFCE00  }
0xfe: {  	s0 =	sadd.s32 @!p0 s0, s10;
	_ =	swait.ge [sflag:s18], $0x3200  }
0xff: {  	s0 =	sshrl.u32 @!p0 s0, $0x3;
	[sflag:s18] =	ssyncset.done $0x0  }
0x100: {  	s1 =	simm.s32 @!p0 $0x0;
	s0 =	sadd.s32 @!p0 s5, s0;
	[sflag:s18] =	ssyncadd.s32 $0xFFFFCE00  }
0x101: {  	[tilespmem:s1], [sflag:$0x3] =	stream.linear.gather @!p0 [hbm4b:s0+s1], $0xC8, $0x38;
	[tilespmem:$0xFB90] =	vst v63  }
0x102: {  	s0 =	simm.s32 @!p0 $0x3  }
0x103: {  	_ =	swait.ge @!p0 [sflag:s0], $0xC8  }
0x104: {  	[sflag:s0] =	ssyncset.done @!p0 $0x0  }
0x105: {  	s12 =	simm.s32 @!p0 $0x190;
	[sflag:s0] =	ssyncadd.s32 @!p0 $0xFFFFFF38;
	s0 =	simm.s32 @!p0 $0x80  }
0x106: {  	[tilespmem:s12], [sflag:$0x1] =	stream.indirect.gather @!p0 [hbm4b:s6+s0], $0x40, s1, s0, $0xb8;
	[tilespmem:$0xFB90] =	vst v63  }
0x107: {  	s15 =	simm.s32 $0x3490;
	s1 =	simm.s32 @!p0 $0x48;
	s12 =	simm.s32 @!p0 $0x2190  }
0x108: {  	[tilespmem:s12], [sflag:$0x1] =	stream.indirect.gather @!p0 [hbm4b:s6+s1], $0x40, s0, s1, $0xb8;
	[tilespmem:$0xFB90] =	vst v63  }
0x109: {  	v0 =	vld [tilespmem:s15+$0x80]  }
0x10a: {  	s12 =	simm.s32 $0xCA90  }
0x10b: {  	v1 =	vld [tilespmem:s12+$0x80]  }
0x10c: {  	v2 =	vld [tilespmem:s15+$0xFFFFFF80]  }
0x10d: {  	v3 =	vld [tilespmem:s15+$0xFFFFFF00]  }
0x10e: {  	v4 =	vld [tilespmem:s15+$0x0];
	v0 =	vmul.f32 $8.000000000e+00, v0  }
0x10f: {  	v5 =	vld [tilespmem:s12+$0xFFFFFF00]  }
0x110: {  	v6 =	vld [tilespmem:s12+$0xFFFFFF80];
	v0 =	vadd.f32 v1, v0  }
0x111: {  	s30 =	simm.s32 $0x9890  }
0x112: {  	v1 =	vmul.f32 $8.000000000e+00, v3;
	v3 =	vld [tilespmem:s12+$0x0];
	[tilespmem:s30+$0x80] =	vst v0  }
0x113: {  	v0 =	vmul.f32 $8.000000000e+00, v2;
	v2 =	vld [tilespmem:s15+$0x90]  }
0x114: {  	v1 =	vadd.f32 v5, v1  }
0x115: {  	v4 =	vmul.f32 $8.000000000e+00, v4;
	v5 =	vld [tilespmem:s12+$0x90];
	v0 =	vadd.f32 v6, v0  }
0x116: {  	[tilespmem:s30+$0xFFFFFF00] =	vst v1  }
0x117: {  	v1 =	vld [tilespmem:s15+$0xFFFFFF10];
	[tilespmem:s30+$0xFFFFFF80] =	vst v0;
	v0 =	vadd.f32 v3, v4  }
0x118: {  	v4 =	vld [tilespmem:s12+$0xFFFFFF10];
	v2 =	vmul.f32 $8.000000000e+00, v2  }
0x119: {  	v3 =	vld [tilespmem:s15+$0xFFFFFF90];
	[tilespmem:s30+$0x0] =	vst v0  }
0x11a: {  	v0 =	vld [tilespmem:s15+$0x10];
	v2 =	vadd.f32 v5, v2  }
0x11b: {  	v5 =	vld [tilespmem:s12+$0xFFFFFF90]  }
0x11c: {  	v6 =	vld [tilespmem:s12+$0x10];
	v1 =	vmul.f32 $8.000000000e+00, v1;
	[tilespmem:s30+$0x90] =	vst v2  }
0x11d: {  	v2 =	vld [tilespmem:s15+$0xA0]  }
0x11e: {  	v3 =	vmul.f32 $8.000000000e+00, v3;
	v1 =	vadd.f32 v4, v1  }
0x11f: {  	v4 =	vld [tilespmem:s12+$0xA0]  }
0x120: {  	v0 =	vmul.f32 $8.000000000e+00, v0;
	[tilespmem:s30+$0xFFFFFF10] =	vst v1;
	v1 =	vadd.f32 v5, v3;
	_ =	sdelay $0x1  }
0x121: {  	v3 =	vld [tilespmem:s15+$0xFFFFFF20];
	v0 =	vadd.f32 v6, v0;
	[tilespmem:s30+$0xFFFFFF90] =	vst v1;
	v1 =	vmul.f32 $8.000000000e+00, v2  }
0x122: {  	v5 =	vld [tilespmem:s12+$0xFFFFFF20]  }
0x123: {  	v2 =	vld [tilespmem:s15+$0xFFFFFFA0];
	[tilespmem:s30+$0x10] =	vst v0;
	v1 =	vadd.f32 v4, v1  }
0x124: {  	v0 =	vld [tilespmem:s15+$0x20]  }
0x125: {  	v6 =	vld [tilespmem:s12+$0x20];
	[tilespmem:s30+$0xA0] =	vst v1  }
0x126: {  	v3 =	vmul.f32 $8.000000000e+00, v3;
	v1 =	vld [tilespmem:s15+$0xB0]  }
0x127: {  	v4 =	vld [tilespmem:s12+$0xFFFFFFA0]  }
0x128: {  	v3 =	vadd.f32 v5, v3;
	v5 =	vld [tilespmem:s12+$0xB0]  }
0x129: {  	v0 =	vmul.f32 $8.000000000e+00, v0  }
0x12a: {  	[tilespmem:s30+$0xFFFFFF20] =	vst v3  }
0x12b: {  	v2 =	vmul.f32 $8.000000000e+00, v2;
	v3 =	vld [tilespmem:s15+$0xFFFFFF30];
	v0 =	vadd.f32 v6, v0;
	v1 =	vmul.f32 $8.000000000e+00, v1;
	_ =	sdelay $0x1  }
0x12c: {  	v2 =	vadd.f32 v4, v2;
	v4 =	vld [tilespmem:s12+$0xFFFFFF30];
	[tilespmem:s30+$0x20] =	vst v0;
	v1 =	vadd.f32 v5, v1  }
0x12d: {  	v0 =	vld [tilespmem:s15+$0x30]  }
0x12e: {  	v6 =	vld [tilespmem:s12+$0x30];
	[tilespmem:s30+$0xB0] =	vst v1  }
0x12f: {  	[tilespmem:s30+$0xFFFFFFA0] =	vst v2;
	v1 =	vmul.f32 $8.000000000e+00, v3;
	v3 =	vld [tilespmem:s15+$0xC0]  }
0x130: {  	v2 =	vld [tilespmem:s15+$0xFFFFFFB0]  }
0x131: {  	v1 =	vadd.f32 v4, v1;
	v4 =	vld [tilespmem:s12+$0xC0]  }
0x132: {  	v5 =	vld [tilespmem:s12+$0xFFFFFFB0];
	v0 =	vmul.f32 $8.000000000e+00, v0;
	_ =	sdelay $0x1  }
0x133: {  	v0 =	vadd.f32 v6, v0;
	v3 =	vmul.f32 $8.000000000e+00, v3  }
0x134: {  	s1 =	simm.s32 $0x3690;
	v2 =	vmul.f32 $8.000000000e+00, v2;
	[tilespmem:s30+$0xFFFFFF30] =	vst v1  }
0x135: {  	v8 =	vld [tilespmem:s1+$0x80];
	[tilespmem:s30+$0x30] =	vst v0;
	v0 =	vadd.f32 v4, v3  }
0x136: {  	v1 =	vadd.f32 v5, v2;
	v2 =	vld [tilespmem:s15+$0xFFFFFF40]  }
0x137: {  	v5 =	vld [tilespmem:s12+$0xFFFFFF40];
	[tilespmem:s30+$0xC0] =	vst v0  }
0x138: {  	[tilespmem:s30+$0xFFFFFFB0] =	vst v1;
	v0 =	vld [tilespmem:s15+$0xD0]  }
0x139: {  	v1 =	vld [tilespmem:s15+$0xFFFFFFC0]  }
0x13a: {  	v7 =	vld [tilespmem:s12+$0xD0]  }
0x13b: {  	v4 =	vld [tilespmem:s12+$0xFFFFFFC0];
	v2 =	vmul.f32 $8.000000000e+00, v2  }
0x13c: {  	v9 =	vld [tilespmem:s1+$0xFFFFFF80]  }
0x13d: {  	s0 =	simm.s32 $0xCC90;
	v3 =	vld [tilespmem:s15+$0x40];
	v2 =	vadd.f32 v5, v2;
	v0 =	vmul.f32 $8.000000000e+00, v0  }
0x13e: {  	v10 =	vld [tilespmem:s0+$0x80];
	v1 =	vmul.f32 $8.000000000e+00, v1  }
0x13f: {  	v6 =	vld [tilespmem:s12+$0x40];
	[tilespmem:s30+$0xFFFFFF40] =	vst v2;
	v0 =	vadd.f32 v7, v0  }
0x140: {  	v1 =	vadd.f32 v4, v1;
	v2 =	vld [tilespmem:s15+$0xFFFFFF50]  }
0x141: {  	v4 =	vld [tilespmem:s12+$0xFFFFFF50];
	[tilespmem:s30+$0xD0] =	vst v0  }
0x142: {  	v3 =	vmul.f32 $8.000000000e+00, v3;
	[tilespmem:s30+$0xFFFFFFC0] =	vst v1;
	v0 =	vld [tilespmem:s15+$0xE0]  }
0x143: {  	v1 =	vld [tilespmem:s15+$0xFFFFFFD0]  }
0x144: {  	v3 =	vadd.f32 v6, v3;
	v6 =	vld [tilespmem:s12+$0xE0]  }
0x145: {  	v11 =	vld [tilespmem:s1+$0x0]  }
0x146: {  	v5 =	vld [tilespmem:s12+$0xFFFFFFD0]  }
0x147: {  	v12 =	vld [tilespmem:s0+$0xFFFFFF00];
	v2 =	vmul.f32 $8.000000000e+00, v2;
	v0 =	vmul.f32 $8.000000000e+00, v0  }
0x148: {  	v13 =	vld [tilespmem:s0+$0xFFFFFF80];
	v8 =	vmul.f32 $8.000000000e+00, v8  }
0x149: {  	[tilespmem:s30+$0x40] =	vst v3;
	v2 =	vadd.f32 v4, v2;
	v4 =	vmul.f32 $8.000000000e+00, v1;
	v0 =	vadd.f32 v6, v0;
	v6 =	vld [tilespmem:s1+$0xFFFFFF00]  }
0x14a: {  	v8 =	vadd.f32 v10, v8;
	v3 =	vld [tilespmem:s15+$0x50]  }
0x14b: {  	s31 =	simm.s32 $0x9A90;
	v10 =	vld [tilespmem:s0+$0x0];
	[tilespmem:s30+$0xFFFFFF50] =	vst v2;
	v2 =	vadd.f32 v5, v4;
	v4 =	vmul.f32 $8.000000000e+00, v9  }
0x14c: {  	[tilespmem:s31+$0x80] =	vst v8;
	v7 =	vld [tilespmem:s12+$0x50]  }
0x14d: {  	v5 =	vld [tilespmem:s1+$0x90];
	v4 =	vadd.f32 v13, v4  }
0x14e: {  	v9 =	vld [tilespmem:s0+$0x90];
	v6 =	vmul.f32 $8.000000000e+00, v6  }
0x14f: {  	v3 =	vmul.f32 $8.000000000e+00, v3;
	v8 =	vld [tilespmem:s15+$0xFFFFFF60];
	[tilespmem:s31+$0xFFFFFF80] =	vst v4  }
0x150: {  	[tilespmem:s30+$0xFFFFFFD0] =	vst v2;
	v4 =	vld [tilespmem:s1+$0xFFFFFF90];
	v6 =	vadd.f32 v12, v6  }
0x151: {  	v3 =	vadd.f32 v7, v3;
	v2 =	vmul.f32 $8.000000000e+00, v11;
	v7 =	vld [tilespmem:s0+$0xFFFFFF90];
	[tilespmem:s30+$0xE0] =	vst v0  }
0x152: {  	v5 =	vmul.f32 $8.000000000e+00, v5;
	v0 =	vld [tilespmem:s15+$0xF0];
	[tilespmem:s31+$0xFFFFFF00] =	vst v6  }
0x153: {  	v2 =	vadd.f32 v10, v2;
	v11 =	vld [tilespmem:s1+$0xFFFFFF10]  }
0x154: {  	v1 =	vld [tilespmem:s12+$0xF0];
	v5 =	vadd.f32 v9, v5  }
0x155: {  	[tilespmem:s31+$0x0] =	vst v2;
	v4 =	vmul.f32 $8.000000000e+00, v4;
	v10 =	vld [tilespmem:s0+$0xFFFFFF10]  }
0x156: {  	v2 =	vld [tilespmem:s1+$0x10];
	[tilespmem:s31+$0x90] =	vst v5  }
0x157: {  	[tilespmem:s30+$0x50] =	vst v3;
	v3 =	vld [tilespmem:s1+$0xA0];
	v4 =	vadd.f32 v7, v4  }
0x158: {  	v9 =	vmul.f32 $8.000000000e+00, v11;
	v11 =	vld [tilespmem:s0+$0x10]  }
0x159: {  	v6 =	vld [tilespmem:s15+$0xFFFFFFE0];
	[tilespmem:s31+$0xFFFFFF90] =	vst v4  }
0x15a: {  	v4 =	vld [tilespmem:s1+$0xFFFFFFA0];
	v5 =	vadd.f32 v10, v9  }
0x15b: {  	v2 =	vmul.f32 $8.000000000e+00, v2;
	v10 =	vld [tilespmem:s0+$0xA0]  }
0x15c: {  	v9 =	vld [tilespmem:s15+$0x60];
	[tilespmem:s31+$0xFFFFFF10] =	vst v5  }
0x15d: {  	v7 =	vld [tilespmem:s1+$0xFFFFFF20];
	v2 =	vadd.f32 v11, v2  }
0x15e: {  	v3 =	vmul.f32 $8.000000000e+00, v3;
	v5 =	vld [tilespmem:s12+$0xFFFFFF60]  }
0x15f: {  	v11 =	vld [tilespmem:s0+$0xFFFFFF20];
	[tilespmem:s31+$0x10] =	vst v2  }
0x160: {  	v3 =	vadd.f32 v10, v3;
	v2 =	vld [tilespmem:s1+$0x20]  }
0x161: {  	v10 =	vld [tilespmem:s0+$0xFFFFFFA0]  }
0x162: {  	v60 =	vld [tilespmem:s0+$0x20];
	[tilespmem:s31+$0xA0] =	vst v3;
	v7 =	vmul.f32 $8.000000000e+00, v7  }
0x163: {  	v3 =	vld [tilespmem:s1+$0xB0]  }
0x164: {  	v4 =	vmul.f32 $8.000000000e+00, v4;
	v61 =	vld [tilespmem:s0+$0xB0];
	v7 =	vadd.f32 v11, v7  }
0x165: {  	v11 =	vld [tilespmem:s12+$0xFFFFFFE0];
	v2 =	vmul.f32 $8.000000000e+00, v2  }
0x166: {  	v4 =	vadd.f32 v10, v4;
	[tilespmem:s31+$0xFFFFFF20] =	vst v7;
	v7 =	vld [tilespmem:s12+$0x60]  }
0x167: {  	v2 =	vadd.f32 v60, v2;
	v10 =	vld [tilespmem:s1+$0xFFFFFF30]  }
0x168: {  	[tilespmem:s31+$0xFFFFFFA0] =	vst v4;
	v4 =	vld [tilespmem:s0+$0xFFFFFF30];
	v3 =	vmul.f32 $8.000000000e+00, v3  }
0x169: {  	v8 =	vmul.f32 $8.000000000e+00, v8;
	[tilespmem:s31+$0x20] =	vst v2;
	v2 =	vld [tilespmem:s1+$0xFFFFFFB0]  }
0x16a: {  	v3 =	vadd.f32 v61, v3;
	v62 =	vld [tilespmem:s1+$0x30]  }
0x16b: {  	v6 =	vmul.f32 $8.000000000e+00, v6;
	v5 =	vadd.f32 v5, v8;
	v8 =	vld [tilespmem:s0+$0xFFFFFFB0]  }
0x16c: {  	[tilespmem:s31+$0xB0] =	vst v3;
	v3 =	vld [tilespmem:s0+$0x30];
	v10 =	vmul.f32 $8.000000000e+00, v10  }
0x16d: {  	[tilespmem:s30+$0xFFFFFF60] =	vst v5;
	v5 =	vadd.f32 v11, v6;
	v6 =	vld [tilespmem:s1+$0xC0]  }
0x16e: {  	v11 =	vld [tilespmem:s0+$0xC0];
	v4 =	vadd.f32 v4, v10;
	v2 =	vmul.f32 $8.000000000e+00, v2  }
0x16f: {  	[tilespmem:s30+$0xFFFFFFE0] =	vst v5;
	v10 =	vld [tilespmem:s15+$0xFFFFFF70];
	v5 =	vmul.f32 $8.000000000e+00, v62  }
0x170: {  	[tilespmem:s31+$0xFFFFFF30] =	vst v4;
	v2 =	vadd.f32 v8, v2;
	v8 =	vld [tilespmem:s15+$0xFFFFFFF0]  }
0x171: {  	v4 =	vld [tilespmem:s1+$0xFFFFFF40];
	v3 =	vadd.f32 v3, v5  }
0x172: {  	v5 =	vld [tilespmem:s0+$0xFFFFFF40];
	[tilespmem:s31+$0xFFFFFFB0] =	vst v2;
	v2 =	vmul.f32 $8.000000000e+00, v6  }
0x173: {  	v6 =	vmul.f32 $8.000000000e+00, v9;
	v9 =	vld [tilespmem:s1+$0xFFFFFFC0];
	[tilespmem:s31+$0x30] =	vst v3  }
0x174: {  	v3 =	vld [tilespmem:s1+$0x40];
	v2 =	vadd.f32 v11, v2  }
0x175: {  	v6 =	vadd.f32 v7, v6;
	v7 =	vld [tilespmem:s0+$0xFFFFFFC0]  }
0x176: {  	v11 =	vld [tilespmem:s0+$0x40];
	v4 =	vmul.f32 $8.000000000e+00, v4;
	[tilespmem:s31+$0xC0] =	vst v2  }
0x177: {  	v2 =	vld [tilespmem:s1+$0xD0]  }
0x178: {  	[tilespmem:s30+$0x60] =	vst v6;
	v6 =	vld [tilespmem:s0+$0xD0];
	v4 =	vadd.f32 v5, v4;
	v5 =	vmul.f32 $8.000000000e+00, v9  }
0x179: {  	v9 =	vld [tilespmem:s15+$0x70];
	v3 =	vmul.f32 $8.000000000e+00, v3  }
0x17a: {  	[tilespmem:s31+$0xFFFFFF40] =	vst v4;
	v4 =	vadd.f32 v7, v5;
	v5 =	vld [tilespmem:s12+$0xFFFFFF70]  }
0x17b: {  	v7 =	vld [tilespmem:s1+$0xFFFFFF50];
	v3 =	vadd.f32 v11, v3  }
0x17c: {  	v11 =	vld [tilespmem:s0+$0xFFFFFF50];
	[tilespmem:s31+$0xFFFFFFC0] =	vst v4;
	v2 =	vmul.f32 $8.000000000e+00, v2  }
0x17d: {  	v63 =	vld [tilespmem:s1+$0xFFFFFFD0];
	[tilespmem:s31+$0x40] =	vst v3  }
0x17e: {  	v0 =	vmul.f32 $8.000000000e+00, v0;
	v3 =	vld [tilespmem:s1+$0x50];
	v2 =	vadd.f32 v6, v2  }
0x17f: {  	v4 =	vmul.f32 $8.000000000e+00, v10;
	v10 =	vld [tilespmem:s0+$0xFFFFFFD0]  }
0x180: {  	v0 =	vadd.f32 v1, v0;
	v6 =	vld [tilespmem:s0+$0x50];
	v1 =	vmul.f32 $8.000000000e+00, v7;
	[tilespmem:s31+$0xD0] =	vst v2  }
0x181: {  	v5 =	vadd.f32 v5, v4;
	v4 =	vld [tilespmem:s1+$0xE0]  }
0x182: {  	[tilespmem:s30+$0xF0] =	vst v0;
	v2 =	vld [tilespmem:s12+$0xFFFFFFF0];
	v11 =	vadd.f32 v11, v1;
	v12 =	vmul.f32 $8.000000000e+00, v63  }
0x183: {  	[tilespmem:s30+$0xFFFFFF70] =	vst v5;
	v5 =	vld [tilespmem:s0+$0xE0];
	v7 =	vmul.f32 $8.000000000e+00, v3  }
0x184: {  	s17 =	simm.s32 $0x3890;
	v0 =	vmul.f32 $8.000000000e+00, v8;
	s15 =	simm.s32 $0x4;
	v1 =	vmul.f32 $8.000000000e+00, v9;
	v3 =	vld [tilespmem:s12+$0x70];
	s12 =	simm.s32 $0xCC90;
	[tilespmem:s31+$0xFFFFFF50] =	vst v11;
	v8 =	vadd.f32 v10, v12  }
.LBB2_5:
0x185: {  	v9 =	vld [tilespmem:s17+$0x80];
	s15 =	sadd.s32 $0x4, s15;
	v6 =	vadd.f32 v6, v7  }
0x186: {  	s0 =	sadd.s32 $0x200, s0;
	v7 =	vld [tilespmem:s17+$0xFFFFFF80];
	p0 =	slt.u32 s15, $0x60;
	[tilespmem:s31+$0xFFFFFFD0] =	vst v8;
	v4 =	vmul.f32 $8.000000000e+00, v4  }
0x187: {  	v8 =	vld [tilespmem:s0+$0x80];
	[tilespmem:s31+$0x50] =	vst v6;
	v0 =	vadd.f32 v2, v0  }
0x188: {  	v2 =	vld [tilespmem:s17+$0x0];
	v4 =	vadd.f32 v5, v4  }
0x189: {  	v5 =	vld [tilespmem:s17+$0xFFFFFF00];
	[tilespmem:s30+$0xFFFFFFF0] =	vst v0;
	v0 =	vadd.f32 v3, v1  }
0x18a: {  	v1 =	vld [tilespmem:s0+$0xFFFFFF00];
	v3 =	vmul.f32 $8.000000000e+00, v9;
	[tilespmem:s31+$0xE0] =	vst v4  }
0x18b: {  	v4 =	vmul.f32 $8.000000000e+00, v7;
	v6 =	vld [tilespmem:s1+$0xF0];
	[tilespmem:s30+$0x70] =	vst v0;
	s30 =	smov.u32 s31  }
0x18c: {  	v0 =	vld [tilespmem:s0+$0xFFFFFF80];
	v3 =	vadd.f32 v8, v3  }
0x18d: {  	s31 =	sadd.s32 $0x200, s31;
	v2 =	vmul.f32 $8.000000000e+00, v2;
	v7 =	vld [tilespmem:s12+$0xF0]  }
0x18e: {  	v5 =	vmul.f32 $8.000000000e+00, v5;
	v8 =	vld [tilespmem:s0+$0x0];
	[tilespmem:s31+$0x80] =	vst v3  }
0x18f: {  	v3 =	vld [tilespmem:s17+$0x90]  }
0x190: {  	v1 =	vadd.f32 v1, v5;
	v5 =	vld [tilespmem:s1+$0xFFFFFF60];
	v6 =	vmul.f32 $8.000000000e+00, v6  }
0x191: {  	v0 =	vadd.f32 v0, v4;
	v4 =	vld [tilespmem:s0+$0x90]  }
0x192: {  	[tilespmem:s31+$0xFFFFFF00] =	vst v1;
	v1 =	vld [tilespmem:s1+$0xFFFFFFE0];
	v6 =	vadd.f32 v7, v6  }
0x193: {  	v7 =	vld [tilespmem:s17+$0xFFFFFF10];
	[tilespmem:s31+$0xFFFFFF80] =	vst v0;
	v0 =	vadd.f32 v8, v2  }
0x194: {  	v2 =	vld [tilespmem:s17+$0xFFFFFF90];
	v3 =	vmul.f32 $8.000000000e+00, v3;
	[tilespmem:s30+$0xF0] =	vst v6  }
0x195: {  	v6 =	vld [tilespmem:s0+$0xFFFFFF10];
	[tilespmem:s31+$0x0] =	vst v0;
	v0 =	vmul.f32 $8.000000000e+00, v5  }
0x196: {  	v5 =	vld [tilespmem:s17+$0x10];
	v3 =	vadd.f32 v4, v3  }
0x197: {  	v4 =	vld [tilespmem:s0+$0xFFFFFF90];
	v1 =	vmul.f32 $8.000000000e+00, v1  }
0x198: {  	v7 =	vmul.f32 $8.000000000e+00, v7;
	v8 =	vld [tilespmem:s0+$0x10];
	[tilespmem:s31+$0x90] =	vst v3  }
0x199: {  	v2 =	vmul.f32 $8.000000000e+00, v2;
	v3 =	vld [tilespmem:s17+$0xA0]  }
0x19a: {  	v6 =	vadd.f32 v6, v7;
	v7 =	vld [tilespmem:s1+$0x60]  }
0x19b: {  	v5 =	vmul.f32 $8.000000000e+00, v5;
	v9 =	vld [tilespmem:s0+$0xA0]  }
0x19c: {  	[tilespmem:s31+$0xFFFFFF10] =	vst v6;
	v2 =	vadd.f32 v4, v2;
	v4 =	vld [tilespmem:s12+$0xFFFFFF60]  }
0x19d: {  	v6 =	vld [tilespmem:s17+$0xFFFFFF20];
	v5 =	vadd.f32 v8, v5  }
0x19e: {  	v8 =	vld [tilespmem:s0+$0xFFFFFF20];
	[tilespmem:s31+$0xFFFFFF90] =	vst v2;
	v2 =	vmul.f32 $8.000000000e+00, v3  }
0x19f: {  	v3 =	vld [tilespmem:s17+$0xFFFFFFA0];
	[tilespmem:s31+$0x10] =	vst v5;
	v5 =	vmul.f32 $8.000000000e+00, v7  }
0x1a0: {  	v7 =	vld [tilespmem:s17+$0x20];
	v2 =	vadd.f32 v9, v2  }
0x1a1: {  	v9 =	vld [tilespmem:s0+$0xFFFFFFA0];
	v0 =	vadd.f32 v4, v0  }
0x1a2: {  	v4 =	vmul.f32 $8.000000000e+00, v6;
	v6 =	vld [tilespmem:s0+$0x20];
	[tilespmem:s31+$0xA0] =	vst v2  }
0x1a3: {  	v2 =	vld [tilespmem:s17+$0xB0];
	[tilespmem:s30+$0xFFFFFF60] =	vst v0  }
0x1a4: {  	v0 =	vadd.f32 v8, v4;
	v3 =	vmul.f32 $8.000000000e+00, v3;
	v4 =	vld [tilespmem:s12+$0xFFFFFFE0]  }
0x1a5: {  	v7 =	vmul.f32 $8.000000000e+00, v7;
	v8 =	vld [tilespmem:s0+$0xB0]  }
0x1a6: {  	[tilespmem:s31+$0xFFFFFF20] =	vst v0;
	v0 =	vadd.f32 v9, v3;
	v3 =	vld [tilespmem:s12+$0x60]  }
0x1a7: {  	v9 =	vld [tilespmem:s17+$0xFFFFFF30];
	v6 =	vadd.f32 v6, v7  }
0x1a8: {  	v7 =	vld [tilespmem:s0+$0xFFFFFF30];
	[tilespmem:s31+$0xFFFFFFA0] =	vst v0;
	v0 =	vmul.f32 $8.000000000e+00, v2  }
0x1a9: {  	v2 =	vld [tilespmem:s17+$0xFFFFFFB0];
	[tilespmem:s31+$0x20] =	vst v6;
	v1 =	vadd.f32 v4, v1  }
0x1aa: {  	v4 =	vld [tilespmem:s17+$0x30];
	v0 =	vadd.f32 v8, v0  }
0x1ab: {  	v6 =	vld [tilespmem:s0+$0xFFFFFFB0];
	[tilespmem:s30+$0xFFFFFFE0] =	vst v1;
	v1 =	vadd.f32 v3, v5  }
0x1ac: {  	v3 =	vmul.f32 $8.000000000e+00, v9;
	v5 =	vld [tilespmem:s0+$0x30];
	[tilespmem:s31+$0xB0] =	vst v0  }
0x1ad: {  	v0 =	vld [tilespmem:s17+$0xC0];
	[tilespmem:s30+$0x60] =	vst v1  }
0x1ae: {  	v1 =	vadd.f32 v7, v3;
	v2 =	vmul.f32 $8.000000000e+00, v2;
	v3 =	vld [tilespmem:s1+$0xFFFFFF70]  }
0x1af: {  	v4 =	vmul.f32 $8.000000000e+00, v4;
	v7 =	vld [tilespmem:s0+$0xC0]  }
0x1b0: {  	[tilespmem:s31+$0xFFFFFF30] =	vst v1;
	v1 =	vadd.f32 v6, v2;
	v2 =	vld [tilespmem:s1+$0xFFFFFFF0]  }
0x1b1: {  	v6 =	vld [tilespmem:s17+$0xFFFFFF40];
	v4 =	vadd.f32 v5, v4  }
0x1b2: {  	v5 =	vld [tilespmem:s0+$0xFFFFFF40];
	[tilespmem:s31+$0xFFFFFFB0] =	vst v1;
	v0 =	vmul.f32 $8.000000000e+00, v0  }
0x1b3: {  	v1 =	vld [tilespmem:s17+$0xFFFFFFC0];
	[tilespmem:s31+$0x30] =	vst v4;
	v3 =	vmul.f32 $8.000000000e+00, v3  }
0x1b4: {  	v4 =	vld [tilespmem:s17+$0x40];
	v7 =	vadd.f32 v7, v0  }
0x1b5: {  	v8 =	vld [tilespmem:s0+$0xFFFFFFC0];
	v0 =	vmul.f32 $8.000000000e+00, v2  }
0x1b6: {  	v2 =	vmul.f32 $8.000000000e+00, v6;
	v6 =	vld [tilespmem:s0+$0x40];
	[tilespmem:s31+$0xC0] =	vst v7  }
0x1b7: {  	v7 =	vld [tilespmem:s17+$0xD0]  }
0x1b8: {  	v2 =	vadd.f32 v5, v2;
	v1 =	vmul.f32 $8.000000000e+00, v1;
	v5 =	vld [tilespmem:s1+$0x70];
	s1 =	smov.u32 s17  }
0x1b9: {  	v4 =	vmul.f32 $8.000000000e+00, v4;
	v9 =	vld [tilespmem:s0+$0xD0]  }
0x1ba: {  	[tilespmem:s31+$0xFFFFFF40] =	vst v2;
	v1 =	vadd.f32 v8, v1;
	v2 =	vld [tilespmem:s12+$0xFFFFFF70]  }
0x1bb: {  	v8 =	vld [tilespmem:s17+$0xFFFFFF50];
	v4 =	vadd.f32 v6, v4  }
0x1bc: {  	v10 =	vld [tilespmem:s0+$0xFFFFFF50];
	[tilespmem:s31+$0xFFFFFFC0] =	vst v1;
	v6 =	vmul.f32 $8.000000000e+00, v7  }
0x1bd: {  	v7 =	vld [tilespmem:s17+$0xFFFFFFD0];
	[tilespmem:s31+$0x40] =	vst v4;
	v1 =	vmul.f32 $8.000000000e+00, v5  }
0x1be: {  	v5 =	vld [tilespmem:s17+$0x50];
	v4 =	vadd.f32 v9, v6  }
0x1bf: {  	v9 =	vld [tilespmem:s0+$0xFFFFFFD0];
	v2 =	vadd.f32 v2, v3  }
.Ltmp1:
0x1c0: {  	v3 =	vmul.f32 $8.000000000e+00, v8;
	v6 =	vld [tilespmem:s0+$0x50];
	[tilespmem:s31+$0xD0] =	vst v4;
	(pc) =	sbr.rel @p0 .LBB2_5-.Ltmp1, $4  }
0x1c1: {  	v4 =	vld [tilespmem:s17+$0xE0];
	[tilespmem:s30+$0xFFFFFF70] =	vst v2  }
0x1c2: {  	v3 =	vadd.f32 v10, v3;
	v8 =	vmul.f32 $8.000000000e+00, v7;
	v2 =	vld [tilespmem:s12+$0xFFFFFFF0]  }
0x1c3: {  	v7 =	vmul.f32 $8.000000000e+00, v5;
	v5 =	vld [tilespmem:s0+$0xE0]  }
0x1c4: {  	s17 =	sadd.s32 $0x200, s17;
	[tilespmem:s31+$0xFFFFFF50] =	vst v3;
	v8 =	vadd.f32 v9, v8;
	v3 =	vld [tilespmem:s12+$0x70];
	s12 =	smov.u32 s0  }
0x1c5: {  	v6 =	vadd.f32 v6, v7;
	v46 =	vld [tilespmem:s1+$0xFFFFFF60]  }
0x1c6: {  	v9 =	vld [tilespmem:s12+$0xFFFFFF60];
	[tilespmem:s31+$0xFFFFFFD0] =	vst v8  }
0x1c7: {  	[tilespmem:s31+$0x50] =	vst v6;
	v47 =	vld [tilespmem:s1+$0xFFFFFFE0]  }
0x1c8: {  	v4 =	vmul.f32 $8.000000000e+00, v4;
	v48 =	vld [tilespmem:s1+$0x60]  }
0x1c9: {  	v10 =	vld [tilespmem:s12+$0xFFFFFFE0]  }
0x1ca: {  	v11 =	vld [tilespmem:s12+$0x60];
	v4 =	vadd.f32 v5, v4;
	v49 =	vmul.f32 $8.000000000e+00, v46;
	_ =	sdelay $0x1  }
0x1cb: {  	[tilespmem:s31+$0xE0] =	vst v4;
	v6 =	vmul.f32 $8.000000000e+00, v47;
	v5 =	vadd.f32 v9, v49  }
0x1cc: {  	v51 =	vld [tilespmem:s1+$0xF0];
	v50 =	vmul.f32 $8.000000000e+00, v48  }
0x1cd: {  	v52 =	vld [tilespmem:s12+$0xF0];
	v6 =	vadd.f32 v10, v6;
	[tilespmem:s31+$0xFFFFFF60] =	vst v5  }
0x1ce: {  	v4 =	vadd.f32 v11, v50;
	v5 =	vld [tilespmem:s1+$0xFFFFFF70]  }
0x1cf: {  	v55 =	vld [tilespmem:s12+$0xFFFFFF70];
	[tilespmem:s31+$0xFFFFFFE0] =	vst v6  }
0x1d0: {  	[tilespmem:s31+$0x60] =	vst v4;
	v53 =	vld [tilespmem:s1+$0xFFFFFFF0]  }
0x1d1: {  	v54 =	vld [tilespmem:s1+$0x70]  }
0x1d2: {  	v56 =	vld [tilespmem:s12+$0xFFFFFFF0]  }
0x1d3: {  	v0 =	vadd.f32 v2, v0;
	v57 =	vmul.f32 $8.000000000e+00, v51;
	v58 =	vld [tilespmem:s12+$0x70]  }
0x1d4: {  	v1 =	vadd.f32 v3, v1;
	v59 =	vmul.f32 $8.000000000e+00, v5  }
0x1d5: {  	s0 =	smul.u32 $0x64, s29;
	s28 =	sadd.s32 $0x1, s28;
	[tilespmem:s30+$0xFFFFFFF0] =	vst v0;
	v60 =	vadd.f32 v52, v57;
	v61 =	vmul.f32 $8.000000000e+00, v53  }
0x1d6: {  	p0 =	sne.s32 s28, $0x40;
	[tilespmem:s30+$0x70] =	vst v1;
	v3 =	vadd.f32 v55, v59;
	v62 =	vmul.f32 $8.000000000e+00, v54  }
.Ltmp2:
0x1d7: {  	s0 =	sadd.s32 s9, s0;
	[tilespmem:s31+$0xF0] =	vst v60;
	v63 =	vadd.f32 v56, v61;
	(pc) =	sbr.rel @p0 .LBB2_2-.Ltmp2, $4  }
0x1d8: {  	s0 =	sshll.u32 s0, $0x4;
	[tilespmem:s31+$0xFFFFFF70] =	vst v3;
	v1 =	vadd.f32 v58, v62  }
0x1d9: {  	s0 =	sand.u32 $0x1FFFFFC0, s0;
	[tilespmem:s31+$0xFFFFFFF0] =	vst v63  }
0x1da: {  	s0 =	sadd.s32 s2, s0;
	[tilespmem:s31+$0x70] =	vst v1  }
0x1db: {  	[hbm4b:s0+s3] =	stream.linear.scatter [tilespmem:s25], [sflag:$0x2], $0x3200, $0x38;
	[tilespmem:$0xFB90] =	vst v63  }
0x1dc: {  	s26 =	sadd.s32 $0x1, s26  }
0x1dd: {  	p0 =	sne.s32 s26, s11  }
.Ltmp3:
0x1de: {  	_ = 	snop;
	(pc) =	sbr.rel @p0 .LBB2_1-.Ltmp3, $4  }
0x1df: {  	_ = 	snop  }
0x1e0: {  	_ =	swait.ge [sflag:s24], $0x3200  }
0x1e1: {  	[sflag:s24] =	ssyncset.done $0x0  }
0x1e2: {  	[sflag:s24] =	ssyncadd.s32 $0xFFFFCE00  }
0x1e3: {  	_ =	sfence.sel $0x180000  }
0x1e4: {  	[bflag:$0x0] =	sbarrier.arrive $0xFFFF  }
0x1e5: {  	_ =	strace $0x90000047  }
0x1e6: {  	s0 =	stileid.u32;
	[bflag:$0x2] =	sbarrier.arrive $0xFFFF  }
0x1e7: {  	p0 =	sne.s32 s0, $0x0;
	s0 =	rddreg [dreg:$0x2]  }
0x1e8: {  	s0 =	sadd.s32 @!p0 $0x100000, s0  }
0x1e9: {  	[sflag:s0] =	ssyncadd.tile.s32 @!p0 $0x1;
	_ =	shalt  }
.Lfunc_end2:
_tile_overlayer_lowered:
.L_overlay_start_2:
0x1ea: {  	(tag) =	ssettag $0x2  }
0x1eb: {  	s0 =	rddreg [dreg:$0x0];
	s2 =	stileid.u32  }
0x1ec: {  	s1 =	rddreg [dreg:$0x1];
	p0 =	sne.s32 s2, $0x0  }
0x1ed: {  	s3 =	rddreg [dreg:$0x2];
	[bflag:$0x3] =	sbarrier.arrive $0xFFFF;
	s2 =	simm.s32 @!p0 $0x1C03  }
0x1ee: {  	[timem:s3], [sflag:s2] =	dma.local @!p0 [hbm:s0], s1  }
0x1ef: {  	s0 =	simm.s32 @!p0 $0x3  }
0x1f0: {  	_ =	swait.ge @!p0 [sflag:s0], s1  }
0x1f1: {  	s1 =	ssub.s32 @!p0 $0x0, s1;
	[sflag:s0] =	ssyncset.done @!p0 $0x0  }
0x1f2: {  	[sflag:s0] =	ssyncadd.s32 @!p0 s1  }
0x1f3: {  	[bflag:$0x3] =	sbarrier.arrive $0xFFFF  }
0x1f4: {  	_ =	shalt  }

// kernel: sparse-core-data-format-call.cloned.1.call-start
scs
called_computation_lowered:
.L_overlay_start_0:
0x0: {  	s2 =	sld [smem:$0x3FD9]  }
0x1: {  	s3 =	sld [smem:$0x3FFE];
	_ =	sdelay $0x1  }
0x2: {  	s1 =	srdreg.scid  }
0x3: {  	s0 =	sand.u32 $0x1, s1  }
0x4: {  	s18 =	sshll.u32 s0, $0xA;
	s2 =	sadd.s32 s3, s2  }
0x5: {  	s2 =	sadd.s32 s2, s18  }
0x6: {  	[smem:$0x3FC6] =	sst s2  }
0x7: {  	_ = 	snop  }
0x8: {  	s2 =	sld [smem:$0x3FD0];
	(tm) =	ssettm $0x1  }
0x9: {  	s19 =	sld [smem:$0x3FFB];
	_ =	sdelay $0x3  }
0xa: {  	_ =	strace s19  }
0xb: {  	s3 =	sld [smem:$0x3FFC];
	_ =	sdelay $0x3  }
0xc: {  	_ =	strace s3  }
0xd: {  	s3 =	sld [smem:$0x3FFD];
	_ =	sdelay $0x3  }
0xe: {  	_ =	strace s3  }
0xf: {  	_ =	strace $0x8FFFFFFF  }
0x10: {  	s20 =	sld [smem:$0x3FDB];
	_ =	sdelay $0x1  }
0x11: {  	s4 =	simm.s32 $_scs_section_size  }
0x12: {  	s5 =	simm.s32 $_size__tile_overlayer_lowered;
	s6 =	simm.s32 $_tile_overlayer_lowered  }
0x13: {  	s23 =	simm.s32 $0x1BFF;
	s22 =	sshll.u32 s6, $0x1;
	s3 =	sadd.s32 s4, s20  }
0x14: {  	s7 =	simm.s32 $0x0;
	s21 =	sshll.u32 s5, $0x1;
	s5 =	sadd.s32 s22, s3  }
0x15: {  	[timem:s7], [sflag:s23] =	dma.local [hbm:s5], s21  }
0x16: {  	_ =	swait.ge [sflag:s23], s21  }
0x17: {  	s4 =	ssub.s32 $0x0, s21;
	[sflag:s23] =	ssyncset.done $0x0  }
0x18: {  	[sflag:s23] =	ssyncadd.s32 s4;
	_ =	sdelay $0x1  }
0x19: {  	s24 =	simm.s32 $0x1B8B  }
0x1a: {  	_ =	swait.ge [sflag:s24], $0x1  }
0x1b: {  	[sflag:s24] =	ssyncset.done $0x0  }
0x1c: {  	s26 =	simm.s32 $0x1B8E;
	s25 =	sld [smem:$0x3FFE];
	[sflag:s24] =	ssyncadd.s32 $0xFFFFFFFF  }
0x1d: {  	s27 =	simm.s32 $execute0_lowered;
	[smem:$0x3FD2] =	sst s26  }
0x1e: {  	s5 =	sshll.u32 s27, $0x1;
	_ =	strace $0x80000049;
	[dreg:$0x1] =	wrdreg $0xFFFFFFFF  }
0x1f: {  	s28 =	simm.s32 $_size_execute0_lowered;
	s3 =	sadd.s32 s3, s5;
	[dreg:$0x0] =	wrdreg $0x0  }
0x20: {  	s5 =	sshll.u32 s28, $0x1;
	[dreg:$0x2] =	wrdreg s3  }
0x21: {  	[dreg:$0x3] =	wrdreg s5  }
0x22: {  	[dreg:$0x4] =	wrdreg $0xC0  }
0x23: {  	_ =	task [dreg:s7], $0x5FFFF  }
0x24: {  	[dreg:$0x1] =	wrdreg $0xFFFFFFFF  }
0x25: {  	[dreg:$0x0] =	wrdreg $0x60  }
0x26: {  	[dreg:$0x2] =	wrdreg s25  }
0x27: {  	[dreg:$0x3] =	wrdreg s2  }
0x28: {  	[dreg:$0x4] =	wrdreg $0x9  }
0x29: {  	_ =	task.clear_ibuf [dreg:s7], $0x5FFFF;
	_ =	strace $0x90000049  }
0x2a: {  	s29 =	simm.s32 $0x9;
	_ =	strace $0x8000004B  }
0x2b: {  	_ =	swait.ge [sflag:s29], $0x1  }
0x2c: {  	[sflag:s29] =	ssyncadd.s32 $0xFFFFFFFF  }
0x2d: {  	_ =	strace $0x9000004B  }
0x2e: {  	_ =	sfence  }
0x2f: {  	s30 =	sld [smem:$0x0];
	_ =	sdelay $0x2  }
0x30: {  	s31 =	sshll.u32 s1, $0xD;
	s1 =	sshrl.u32 s1, $0x2  }
0x31: {  	s3 =	sand.u32 $0x4000, s31;
	s1 =	sadd.s32 s1, s30  }
0x32: {  	s0 =	sor.u32 s3, s0;
	s1 =	sshll.u32 s1, $0x11  }
0x33: {  	s0 =	sor.u32 s1, s0  }
0x34: {  	s0 =	sadd.s32 $0x8F2B, s0  }
0x35: {  	[sflag:s0] =	ssyncadd.remote.s32 $0x1  }
0x36: {  	_ =	sfence.sel $0xFFFF  }
0x37: {  	[dreg:$0x0] =	wrdreg $0xFFFFFFFF;
	(pc) =	sbr.abs _section_cstart, $3  }
0x38: {  	[dreg:$0x1] =	wrdreg $0xFFFFFFFF  }
0x39: {  	_ =	task.clear_ibuf [dreg:s7], $0x2FFFF;
	_ =	strace $0x9FFFFFFF  }
0x3a: {  	(tm) =	ssettm $0x7FFFFFFF  }
0x3b: {  	_ =	shalt  }
tec
execute0_lowered:
.L_overlay_start_1:
0x0: {  	(tag) =	ssettag $0x1  }
0x1: {  	s0 =	srdreg.scid  }
0x2: {  	s1 =	sshll.u32 s0, $0x4  }
0x3: {  	s0 =	stileid.u32;
	s1 =	sand.u32 $0x10, s1  }
0x4: {  	s1 =	sor.u32 s0, s1  }
0x5: {  	s6 =	rddreg [dreg:$0x0];
	s4 =	simm.s32 $0x1;
	s2 =	sshll.u32 s1, $0x7  }
0x6: {  	s7 =	simm.s32 $0x2;
	s12 =	simm.s32 $0x0;
	s1 =	ssub.s32 $0x1000, s2  }
0x7: {  	s8 =	simm.s32 $0x8000;
	s13 =	simm.s32 $0x0;
	s3 =	sand.u32 $0xF80, s1  }
0x8: {  	s9 =	simm.s32 $0x0;
	s5 =	sshrl.u32 s1, $0xC;
	p0 =	sne.s32 s3, $0x0  }
.Ltmp0:
0x9: {  	s1 =	rddreg [dreg:$0x2];
	s4 =	simm.s32 @!p0 $0x0;
	(pc) =	sbr.rel .LBB1_1-.Ltmp0, $4  }
0xa: {  	s11 =	simm.s32 $0x0;
	s3 =	rddreg [dreg:$0x1];
	s5 =	sadd.s32 s4, s5  }
0xb: {  	_ =	strace $0x8000004A;
	s4 =	simm.s32 $0x1;
	s5 =	smul.u32 $0xC8, s5  }
0xc: {  	s6 =	sadd.s32 $0xC00, s6;
	s10 =	smov.u32 s2;
	[sflag:s4] =	ssyncpa.u1 $0x0  }
0xd: {  	p0 =	por $0x0, $0x0;
	[sflag:s7] =	ssyncpa.u1 $0x0;
	s7 =	sor.u32 $0x1, s5  }
.LBB1_4:
0xe: {  	s16 =	sshll.u32 s13, $0x3;
	s17 =	sand.u32 $0x78, s13  }
0xf: {  	s30 =	sand.u32 $0x7E00, s13;
	s12 =	sshll.u32 s12, $0xF;
	s16 =	sand.u32 $0xC00, s16  }
0x10: {  	[tilespmem:s15+$0x810 ss:$0x81] =	vst.msk $0xffff, v2;
	s31 =	sand.u32 $0x7, s13;
	s16 =	sor.u32 s17, s16;
	s17 =	sadd.s32 s3, s30  }
0x11: {  	[tilespmem:s15+$0x1020 ss:$0x81] =	vst.msk $0xffff, v0;
	s13 =	sshll.u32 s31, $0x12;
	s12 =	sadd.s32 s12, s17;
	s16 =	sshrl.u32 s16, $0x3  }
0x12: {  	[tilespmem:s15+$0x0 ss:$0x81] =	vst.msk $0xffff, v1;
	s13 =	sor.u32 $0x400, s13;
	s12 =	sadd.s32 s16, s12  }
0x13: {  	[hbm4b:s12+s13] =	stream.strided.scatter [tilespmem:s14], [sflag:$0x2], $0x2000, s8, s13, $0x20;
	[tilespmem:$0x8080] =	vst v63  }
.LBB1_5:
0x14: {  	s14 =	sadd.s32 $0x1, s9  }
0x15: {  	s12 =	sadd.s32 $0x1000, s10;
	s16 =	smov.u32 s10;
	p2 =	sgt.s32 s14, $0xC7  }
0x16: {  	s16 =	smov.u32 @p2 s12  }
0x17: {  	s14 =	simm.s32 @p2 $0x0;
	p2 =	sgt.s32 s16, $0xFFF  }
0x18: {  	s16 =	smov.u32 @p2 s2;
	p2 =	sne.s32 s11, s7  }
.Ltmp1:
0x19: {  	p1 =	slt.u32 s11, $0x2;
	(pc) =	sbr.rel @!p2 .LBB1_6-.Ltmp1, $4  }
0x1a: {  	s15 =	simm.s32 @!p1 $0x2  }
0x1b: {  	s13 =	smov.u32 s10;
	p0 =	por !p0, !p0;
	_ =	swait.ge @!p1 [sflag:s15], $0x2000  }
0x1c: {  	s12 =	smov.u32 s9;
	[sflag:s15] =	ssyncset.done @!p1 $0x0;
	s9 =	smov.u32 s14  }
0x1d: {  	s11 =	sadd.s32 $0x1, s11;
	[sflag:s15] =	ssyncadd.s32 @!p1 $0xFFFFE000;
	s10 =	smov.u32 s16  }
.LBB1_1:
0x1e: {  	p1 =	sge.u32 s11, s5  }
0x1f: {  	s14 =	sand.u32 @!p1 $0x1FFFFFF, s9  }
0x20: {  	s15 =	smulhi.u32 @!p1 $0x147AE15, s14;
	_ =	sdelay $0x1  }
0x21: {  	s15 =	smul.u32 @!p1 $0xC8, s15  }
0x22: {  	s16 =	sxor.u32 @!p1 $0xFFFFFFFF, s11;
	s17 =	smul.u32 @!p1 $0xC80, s10  }
0x23: {  	s31 =	sadd.s32 $0xFFFFFFFF, s11;
	s16 =	sshll.u32 @!p1 s16, $0xD;
	s14 =	ssub.s32 @!p1 s14, s15  }
0x24: {  	s15 =	sand.u32 @!p1 $0x2000, s16;
	s16 =	sadd.s32 @!p1 s6, s17;
	s14 =	sshll.u32 @!p1 s14, $0x4  }
0x25: {  	s17 =	simm.s32 @!p1 $0x6400;
	s14 =	sadd.s32 @!p1 s14, s16;
	s16 =	simm.s32 @!p1 $0x40  }
0x26: {  	[tilespmem:s15], [sflag:$0x1] =	stream.strided.gather @!p1 [hbm4b:s14+s16], $0x2000, s17, s16, $0x38;
	[tilespmem:$0x8080] =	vst v63  }
0x27: {  	p1 =	sge.u32 s31, s5  }
.Ltmp2:
0x28: {  	_ = 	snop;
	(pc) =	sbr.rel @p1 .LBB1_5-.Ltmp2, $1  }
0x29: {  	_ =	sdelay $0x3  }
0x2a: {  	s14 =	simm.s32 $0x1  }
0x2b: {  	_ =	swait.ge [sflag:s4], $0x2000;
	s14 =	simm.s32 @!p0 $0x0  }
0x2c: {  	[sflag:s4] =	ssyncset.done $0x0;
	s15 =	sshll.u32 s14, $0xD  }
0x2d: {  	[sflag:s4] =	ssyncadd.s32 $0xFFFFE000;
	s18 =	sor.u32 $0x20, s15  }
0x2e: {  	s14 =	smul.u32 $0x8100, s14;
	v3 =	vld [tilespmem:s18+$0x10]  }
0x2f: {  	s30 =	sand.u32 $0x1, s11;
	v2 =	vld [tilespmem:s18+$0xFFFFFFF0]  }
0x30: {  	s15 =	smul.u32 $0x8100, s30;
	s14 =	sshrl.u32 s14, $0x2;
	v0 =	vld [tilespmem:s18+$0x0]  }
0x31: {  	v1 =	vld [tilespmem:s18+$0xFFFFFFE0];
	s16 =	sor.u32 $0x4000, s14  }
0x32: {  	s31 =	sshrl.u32 s15, $0x2;
	s15 =	sadd.s32 $0x0, s16  }
0x33: {  	s17 =	simm.s32 $0x4;
	s18 =	sadd.s32 $0x40, s18;
	s14 =	sor.u32 $0x4000, s31;
	[tilespmem:s15+$0x1830 ss:$0x81] =	vst.msk $0xffff, v3  }
.LBB1_3:
0x34: {  	v3 =	vld [tilespmem:s18+$0x10];
	p1 =	sne.s32 s17, $0x1FC;
	[tilespmem:s15+$0x810 ss:$0x81] =	vst.msk $0xffff, v2;
	s19 =	smov.u32 s17;
	s17 =	sadd.s32 $0x4, s17  }
.Ltmp3:
0x35: {  	v2 =	vld [tilespmem:s18+$0xFFFFFFF0];
	[tilespmem:s15+$0x1020 ss:$0x81] =	vst.msk $0xffff, v0;
	(pc) =	sbr.rel @p1 .LBB1_3-.Ltmp3, $4  }
0x36: {  	v0 =	vld [tilespmem:s18+$0x0];
	[tilespmem:s15+$0x0 ss:$0x81] =	vst.msk $0xffff, v1  }
0x37: {  	s15 =	sshra.s32 s19, $0x2;
	v1 =	vld [tilespmem:s18+$0xFFFFFFE0]  }
0x38: {  	s15 =	sadd.s32 s15, s16  }
0x39: {  	s18 =	sadd.s32 $0x40, s18;
	[tilespmem:s15+$0x1830 ss:$0x81] =	vst.msk $0xffff, v3  }
.Ltmp4:
0x3a: {  	_ = 	snop;
	(pc) =	sbr.rel .LBB1_4-.Ltmp4, $1  }
0x3b: {  	_ =	sdelay $0x3  }
.LBB1_6:
0x3c: {  	_ =	sfence.sel $0x180000  }
0x3d: {  	s2 =	simm.s32 $0x1;
	[bflag:$0x0] =	sbarrier.arrive $0xFFFF  }
0x3e: {  	s31 =	simm.s32 $0x2;
	[sflag:s2] =	ssyncpa.u1 $0x1  }
0x3f: {  	[sflag:s31] =	ssyncpa.u1 $0x1  }
0x40: {  	p0 =	sne.s32 s0, $0x0;
	_ =	strace $0x9000004A  }
0x41: {  	s0 =	sadd.s32 @!p0 $0x100000, s1;
	[bflag:$0x2] =	sbarrier.arrive $0xFFFF  }
0x42: {  	[sflag:s0] =	ssyncadd.tile.s32 @!p0 $0x1;
	_ =	shalt  }
.Lfunc_end1:
_tile_overlayer_lowered:
.L_overlay_start_2:
0x43: {  	(tag) =	ssettag $0x2  }
0x44: {  	s0 =	rddreg [dreg:$0x0];
	s2 =	stileid.u32  }
0x45: {  	s1 =	rddreg [dreg:$0x1];
	p0 =	sne.s32 s2, $0x0  }
0x46: {  	s3 =	rddreg [dreg:$0x2];
	[bflag:$0x3] =	sbarrier.arrive $0xFFFF;
	s2 =	simm.s32 @!p0 $0x1C01  }
0x47: {  	[timem:s3], [sflag:s2] =	dma.local @!p0 [hbm:s0], s1  }
0x48: {  	s0 =	simm.s32 @!p0 $0x1  }
0x49: {  	_ =	swait.ge @!p0 [sflag:s0], s1  }
0x4a: {  	s1 =	ssub.s32 @!p0 $0x0, s1;
	[sflag:s0] =	ssyncset.done @!p0 $0x0  }
0x4b: {  	[sflag:s0] =	ssyncadd.s32 @!p0 s1  }
0x4c: {  	[bflag:$0x3] =	sbarrier.arrive $0xFFFF  }
0x4d: {  	_ =	shalt  }

</sc_bundles>
